<compile_context>
chip_gen: v7x
topology: tpu7x:2x2x1
jax: 0.10.2.dev20260603
libtpu: 0.0.44.dev20260713+nightly
codegen_flags: <defaults>
</compile_context>

<pallas_src>
import functools

import jax
import jax.numpy as jnp
from jax import lax
from jax.experimental import pallas as pl
from jax.experimental.pallas import tpu as pltpu
from jax.experimental.pallas import tpu_sc as plsc

_B, _L = 16384, 200
_N = _B * _L
_BC = 16384
_UNROLL = 16


def _score_gather(xf, tw, ww):
    mesh = plsc.VectorSubcoreMesh(core_axis_name="c", subcore_axis_name="s")

    @functools.partial(
        pl.kernel,
        out_type=jax.ShapeDtypeStruct((_N,), jnp.float32),
        mesh=mesh,
        scratch_types=[
            pltpu.VMEM((8, 16), jnp.float32),
            pltpu.VMEM((8, 16), jnp.float32),
            pltpu.SemaphoreType.DMA,
        ],
    )
    def run(x_hbm, t_hbm, w_hbm, o_hbm, t_v, w_v, sem):
        pltpu.async_copy(t_hbm, t_v, sem).wait()
        pltpu.async_copy(w_hbm, w_v, sem).wait()

        scores = t_v[0] * w_v[0]
        for d in range(1, 6):
            scores = scores + t_v[d] * w_v[d]

        dnums = lax.GatherDimensionNumbers(
            offset_dims=(), collapsed_slice_dims=(0,), start_index_map=(0,)
        )

        def body(x_vmem, o_vmem):
            @plsc.parallel_loop(0, _BC, step=16, unroll=_UNROLL)
            def _(j):
                idx = x_vmem[0, pl.ds(j, 16)]
                o_vmem[pl.ds(j, 16)] = lax.gather(
                    scores,
                    idx[:, None],
                    dnums,
                    slice_sizes=(1,),
                    mode=lax.GatherScatterMode.PROMISE_IN_BOUNDS,
                )

        nc = _B // _BC
        pltpu.emit_pipeline(
            body,
            grid=(_L, nc),
            in_specs=[pl.BlockSpec((1, _BC), lambda i, j: (i, j))],
            out_specs=[pl.BlockSpec((_BC,), lambda i, j: (i * nc + j,))],
            core_axis_name=("c", "s"),
            dimension_semantics=(pltpu.PARALLEL, pltpu.PARALLEL),
        )(x_hbm, o_hbm)

    return run(xf, tw, ww)


def kernel(x, table, W, b):
    xf = jnp.transpose(x)
    tw = (
        jnp.zeros((8, 16), jnp.float32)
        .at[:5, :10]
        .set(table.T)
        .at[5, :]
        .set(1.0)
    )
    ww = (
        jnp.zeros((8, 16), jnp.float32)
        .at[:5, :]
        .set(jnp.broadcast_to(W.reshape(5, 1), (5, 16)))
        .at[5, :]
        .set(b[0])
    )
    out = _score_gather(xf, tw, ww)
    return out.reshape(_L, _B, 1).transpose(1, 0, 2)

# --- scband reference (transcript-rebuilt; emitter-appended) ---
"""Pipeline reference for scband-my-model-61933428415056 (READ-ONLY COPY).

The authoritative reference and input builder live on the scoring server;
editing this copy changes nothing except your own understanding.
"""

import jax, jax.numpy as jnp
import numpy as np


def setup_inputs(seed: int = 0) -> dict:
    key = jax.random.key(seed)
    k1, k2, k3, k4 = jax.random.split(key, 4)
    # indices: batch=16384, hist_len=200, values in [0, 10)
    x = jax.random.randint(k1, (16384, 200), 0, 10, dtype=jnp.int32)
    # nn.Embedding(10, 5, padding_idx=0): row 0 initialized to zeros
    table = jax.random.normal(k2, (10, 5), dtype=jnp.float32)
    table = table.at[0].set(0.0)
    # nn.Linear(5, 1)
    bound = 1.0 / np.sqrt(5.0)
    W = jax.random.uniform(k3, (1, 5), dtype=jnp.float32, minval=-bound, maxval=bound)
    b = jax.random.uniform(k4, (1,), dtype=jnp.float32, minval=-bound, maxval=bound)
    return {"x": x, "table": table, "W": W, "b": b}


def reference(x, table, W, b):
    # embedding lookup (gather)
    embeds = jnp.take(table, x, axis=0)  # [B, L, 5]
    # linear layer
    out = embeds @ W.T + b  # [B, L, 1]
    return out

if __name__ == "__main__":
    import jax
    _d = setup_inputs()
    print(jax.jit(kernel)(*tuple(_d.values())))

</pallas_src>

<mosaic_0001>
#map = affine_map<(d0, d1) -> (0, 0)>
#map1 = affine_map<(d0, d1) -> (0)>
module attributes {stable_mosaic.version = 14 : i64} {
  func.func @run(%arg0: i32, %arg1: i32, %arg2: memref<200x16384xi32, #tpu.memory_space<hbm>>, %arg3: memref<8x16xf32, #tpu.memory_space<hbm>>, %arg4: memref<8x16xf32, #tpu.memory_space<hbm>>, %arg5: memref<3276800xf32, #tpu.memory_space<hbm>>, %arg6: memref<8x16xf32, #tpu.memory_space<vmem>>, %arg7: memref<8x16xf32, #tpu.memory_space<vmem>>, %arg8: memref<!tpu.dma_semaphore, #tpu.memory_space<semaphore_mem>>) attributes {dimension_semantics = [#tpu.dimension_semantics<core_parallel>, #tpu.dimension_semantics<subcore_parallel>], iteration_bounds = array<i64: 2, 16>, scalar_prefetch = 0 : i64, scratch_operands = 3 : i64, tpu.core_type = #tpu.core_type<sc_vector_subcore>, window_params = [{transform_indices = #map}, {transform_indices = #map}, {transform_indices = #map}, {transform_indices = #map1}]} {
    tpu.enqueue_dma source(%arg3 : memref<8x16xf32, #tpu.memory_space<hbm>>) target(%arg6 : memref<8x16xf32, #tpu.memory_space<vmem>>) target_semaphore(%arg8 : memref<!tpu.dma_semaphore, #tpu.memory_space<semaphore_mem>>)
    tpu.wait_dma2 semaphore(%arg8 : memref<!tpu.dma_semaphore, #tpu.memory_space<semaphore_mem>>) src(%arg3 : memref<8x16xf32, #tpu.memory_space<hbm>>) dst(%arg6 : memref<8x16xf32, #tpu.memory_space<vmem>>)
    tpu.enqueue_dma source(%arg4 : memref<8x16xf32, #tpu.memory_space<hbm>>) target(%arg7 : memref<8x16xf32, #tpu.memory_space<vmem>>) target_semaphore(%arg8 : memref<!tpu.dma_semaphore, #tpu.memory_space<semaphore_mem>>)
    tpu.wait_dma2 semaphore(%arg8 : memref<!tpu.dma_semaphore, #tpu.memory_space<semaphore_mem>>) src(%arg4 : memref<8x16xf32, #tpu.memory_space<hbm>>) dst(%arg7 : memref<8x16xf32, #tpu.memory_space<vmem>>)
    %get3A = arith.constant 0 : i32
    %get3A_0 = arith.index_cast %get3A : i32 to index
    %get3A_1 = arith.constant 0 : index
    %get3A_2 = tpu.vector_load %arg6[%get3A_0, %get3A_1] {strides = array<i32>} : memref<8x16xf32, #tpu.memory_space<vmem>>, vector<1x16xf32>,
    %get3A_3 = vector.shape_cast %get3A_2 : vector<1x16xf32> to vector<16xf32>
    %get3A_4 = arith.constant 0 : i32
    %get3A_5 = arith.index_cast %get3A_4 : i32 to index
    %get3A_6 = arith.constant 0 : index
    %get3A_7 = tpu.vector_load %arg7[%get3A_5, %get3A_6] {strides = array<i32>} : memref<8x16xf32, #tpu.memory_space<vmem>>, vector<1x16xf32>,
    %get3A_8 = vector.shape_cast %get3A_7 : vector<1x16xf32> to vector<16xf32>
    %mul3A = arith.mulf %get3A_3, %get3A_8 : vector<16xf32>
    %get3A_9 = arith.constant 1 : i32
    %get3A_10 = arith.index_cast %get3A_9 : i32 to index
    %get3A_11 = arith.constant 0 : index
    %get3A_12 = tpu.vector_load %arg6[%get3A_10, %get3A_11] {strides = array<i32>} : memref<8x16xf32, #tpu.memory_space<vmem>>, vector<1x16xf32>,
    %get3A_13 = vector.shape_cast %get3A_12 : vector<1x16xf32> to vector<16xf32>
    %get3A_14 = arith.constant 1 : i32
    %get3A_15 = arith.index_cast %get3A_14 : i32 to index
    %get3A_16 = arith.constant 0 : index
    %get3A_17 = tpu.vector_load %arg7[%get3A_15, %get3A_16] {strides = array<i32>} : memref<8x16xf32, #tpu.memory_space<vmem>>, vector<1x16xf32>,
    %get3A_18 = vector.shape_cast %get3A_17 : vector<1x16xf32> to vector<16xf32>
    %mul3A_19 = arith.mulf %get3A_13, %get3A_18 : vector<16xf32>
    %add3A = arith.addf %mul3A, %mul3A_19 : vector<16xf32>
    %get3A_20 = arith.constant 2 : i32
    %get3A_21 = arith.index_cast %get3A_20 : i32 to index
    %get3A_22 = arith.constant 0 : index
    %get3A_23 = tpu.vector_load %arg6[%get3A_21, %get3A_22] {strides = array<i32>} : memref<8x16xf32, #tpu.memory_space<vmem>>, vector<1x16xf32>,
    %get3A_24 = vector.shape_cast %get3A_23 : vector<1x16xf32> to vector<16xf32>
    %get3A_25 = arith.constant 2 : i32
    %get3A_26 = arith.index_cast %get3A_25 : i32 to index
    %get3A_27 = arith.constant 0 : index
    %get3A_28 = tpu.vector_load %arg7[%get3A_26, %get3A_27] {strides = array<i32>} : memref<8x16xf32, #tpu.memory_space<vmem>>, vector<1x16xf32>,
    %get3A_29 = vector.shape_cast %get3A_28 : vector<1x16xf32> to vector<16xf32>
    %mul3A_30 = arith.mulf %get3A_24, %get3A_29 : vector<16xf32>
    %add3A_31 = arith.addf %add3A, %mul3A_30 : vector<16xf32>
    %get3A_32 = arith.constant 3 : i32
    %get3A_33 = arith.index_cast %get3A_32 : i32 to index
    %get3A_34 = arith.constant 0 : index
    %get3A_35 = tpu.vector_load %arg6[%get3A_33, %get3A_34] {strides = array<i32>} : memref<8x16xf32, #tpu.memory_space<vmem>>, vector<1x16xf32>,
    %get3A_36 = vector.shape_cast %get3A_35 : vector<1x16xf32> to vector<16xf32>
    %get3A_37 = arith.constant 3 : i32
    %get3A_38 = arith.index_cast %get3A_37 : i32 to index
    %get3A_39 = arith.constant 0 : index
    %get3A_40 = tpu.vector_load %arg7[%get3A_38, %get3A_39] {strides = array<i32>} : memref<8x16xf32, #tpu.memory_space<vmem>>, vector<1x16xf32>,
    %get3A_41 = vector.shape_cast %get3A_40 : vector<1x16xf32> to vector<16xf32>
    %mul3A_42 = arith.mulf %get3A_36, %get3A_41 : vector<16xf32>
    %add3A_43 = arith.addf %add3A_31, %mul3A_42 : vector<16xf32>
    %get3A_44 = arith.constant 4 : i32
    %get3A_45 = arith.index_cast %get3A_44 : i32 to index
    %get3A_46 = arith.constant 0 : index
    %get3A_47 = tpu.vector_load %arg6[%get3A_45, %get3A_46] {strides = array<i32>} : memref<8x16xf32, #tpu.memory_space<vmem>>, vector<1x16xf32>,
    %get3A_48 = vector.shape_cast %get3A_47 : vector<1x16xf32> to vector<16xf32>
    %get3A_49 = arith.constant 4 : i32
    %get3A_50 = arith.index_cast %get3A_49 : i32 to index
    %get3A_51 = arith.constant 0 : index
    %get3A_52 = tpu.vector_load %arg7[%get3A_50, %get3A_51] {strides = array<i32>} : memref<8x16xf32, #tpu.memory_space<vmem>>, vector<1x16xf32>,
    %get3A_53 = vector.shape_cast %get3A_52 : vector<1x16xf32> to vector<16xf32>
    %mul3A_54 = arith.mulf %get3A_48, %get3A_53 : vector<16xf32>
    %add3A_55 = arith.addf %add3A_43, %mul3A_54 : vector<16xf32>
    %get3A_56 = arith.constant 5 : i32
    %get3A_57 = arith.index_cast %get3A_56 : i32 to index
    %get3A_58 = arith.constant 0 : index
    %get3A_59 = tpu.vector_load %arg6[%get3A_57, %get3A_58] {strides = array<i32>} : memref<8x16xf32, #tpu.memory_space<vmem>>, vector<1x16xf32>,
    %get3A_60 = vector.shape_cast %get3A_59 : vector<1x16xf32> to vector<16xf32>
    %get3A_61 = arith.constant 5 : i32
    %get3A_62 = arith.index_cast %get3A_61 : i32 to index
    %get3A_63 = arith.constant 0 : index
    %get3A_64 = tpu.vector_load %arg7[%get3A_62, %get3A_63] {strides = array<i32>} : memref<8x16xf32, #tpu.memory_space<vmem>>, vector<1x16xf32>,
    %get3A_65 = vector.shape_cast %get3A_64 : vector<1x16xf32> to vector<16xf32>
    %mul3A_66 = arith.mulf %get3A_60, %get3A_65 : vector<16xf32>
    %add3A_67 = arith.addf %add3A_55, %mul3A_66 : vector<16xf32>
    %mul3A_68 = arith.constant 1 : i32
    %mul3A_69 = arith.muli %arg1, %mul3A_68 : i32
    %add3A_70 = arith.constant 0 : i32
    %add3A_71 = arith.addi %add3A_70, %mul3A_69 : i32
    %mul3A_72 = arith.constant 16 : i32
    %mul3A_73 = arith.muli %arg0, %mul3A_72 : i32
    %add3A_74 = arith.addi %add3A_71, %mul3A_73 : i32
    %lt3A = arith.constant 8 : i32
    %lt3A_75 = arith.cmpi slt, %add3A_74, %lt3A : i32
    %jit3A = arith.constant 7 : i32
    %jit3A_76 = arith.constant 6 : i32
    %select_n3A = arith.select %lt3A_75, %jit3A, %jit3A_76 : i32
    %lt3A_77 = arith.constant 8 : i32
    %lt3A_78 = arith.cmpi slt, %add3A_74, %lt3A_77 : i32
    %mul3A_79 = arith.muli %add3A_74, %select_n3A : i32
    %mul3A_80 = arith.constant 6 : i32
    %mul3A_81 = arith.muli %add3A_74, %mul3A_80 : i32
    %add3A_82 = arith.constant 8 : i32
    %add3A_83 = arith.addi %mul3A_81, %add3A_82 : i32
    %select_n3A_84 = arith.select %lt3A_78, %mul3A_79, %add3A_83 : i32
    %mul3A_85 = arith.constant 1 : i32
    %mul3A_86 = arith.muli %mul3A_85, %select_n3A : i32
    %mul3A_87 = arith.constant 1 : i32
    %mul3A_88 = arith.muli %mul3A_86, %mul3A_87 : i32
    "tpu.region"() ({
      %run_scoped3A = memref.alloca() : memref<2x1x16384xi32, #tpu.memory_space<vmem>>
      %run_scoped3A_89 = tpu.sem_alloc : memref<2x!tpu.dma_semaphore, #tpu.memory_space<semaphore_mem>>
      %run_scoped3A_90 = memref.alloca() : memref<32768xf32, #tpu.memory_space<vmem>>
      %run_scoped3A_91 = tpu.sem_alloc : memref<2x!tpu.dma_semaphore, #tpu.memory_space<semaphore_mem>>
      %gt3A = arith.constant 0 : i32
      %gt3A_92 = arith.cmpi sgt, %mul3A_88, %gt3A : i32
      %convert_element_type3A = arith.extui %gt3A_92 : i1 to i32
      %cond3A = arith.constant 0 : i32
      %cond3A_93 = arith.cmpi ne, %convert_element_type3A, %cond3A : i32
      scf.if %cond3A_93 {
        %mul3A_94 = arith.constant 1 : i32
        %mul3A_95 = arith.muli %mul3A_94, %select_n3A : i32
        %mul3A_96 = arith.constant 1 : i32
        %mul3A_97 = arith.muli %mul3A_95, %mul3A_96 : i32
        %sub3A = arith.constant 1 : i32
        %sub3A_98 = arith.subi %mul3A_97, %sub3A : i32
        %eq3A = arith.constant 0 : i32
        %eq3A_99 = arith.cmpi eq, %sub3A_98, %eq3A : i32
        %add3A_100 = arith.constant 0 : i32
        %add3A_101 = arith.addi %add3A_100, %select_n3A_84 : i32
        %select_n3A_102 = arith.constant true
        %select_n3A_103 = arith.constant 0 : i32
        %select_n3A_104 = arith.constant -1 : i32
        %select_n3A_105 = arith.select %select_n3A_102, %select_n3A_104, %select_n3A_103 : i32
        %eq3A_106 = arith.constant -1 : i32
        %eq3A_107 = arith.cmpi eq, %select_n3A_105, %eq3A_106 : i32
        %select_n3A_108 = arith.constant 0 : i32
        %select_n3A_109 = arith.select %eq3A_107, %select_n3A_108, %select_n3A_105 : i32
        %select_n3A_110 = arith.constant 0 : i32
        %select_n3A_111 = arith.constant -1 : i32
        %select_n3A_112 = arith.select %eq3A_107, %select_n3A_111, %select_n3A_110 : i32
        %eq3A_113 = arith.constant -1 : i32
        %eq3A_114 = arith.cmpi eq, %select_n3A_112, %eq3A_113 : i32
        %sub3A_115 = arith.constant 1 : i32
        %sub3A_116 = arith.subi %select_n3A, %sub3A_115 : i32
        %select_n3A_117 = arith.select %eq3A_114, %sub3A_116, %select_n3A_112 : i32
        %add3A_118 = arith.addi %select_n3A_117, %select_n3A_84 : i32
        %select_n3A_119 = arith.constant true
        %select_n3A_120 = arith.constant 0 : i32
        %select_n3A_121 = arith.constant 1 : i32
        %select_n3A_122 = arith.select %select_n3A_119, %select_n3A_121, %select_n3A_120 : i32
        %eq3A_123 = arith.constant 1 : i32
        %eq3A_124 = arith.cmpi eq, %select_n3A_122, %eq3A_123 : i32
        %select_n3A_125 = arith.constant 0 : i32
        %select_n3A_126 = arith.select %eq3A_124, %select_n3A_125, %select_n3A_122 : i32
        %select_n3A_127 = arith.constant 0 : i32
        %select_n3A_128 = arith.constant 1 : i32
        %select_n3A_129 = arith.select %eq3A_124, %select_n3A_128, %select_n3A_127 : i32
        %eq3A_130 = arith.cmpi eq, %select_n3A_129, %select_n3A : i32
        %select_n3A_131 = arith.constant 0 : i32
        %select_n3A_132 = arith.select %eq3A_130, %select_n3A_131, %select_n3A_129 : i32
        %add3A_133 = arith.addi %select_n3A_132, %select_n3A_84 : i32
        %select_n3A_134 = arith.constant true
        %select_n3A_135 = arith.constant 0 : i32
        %select_n3A_136 = arith.constant 1 : i32
        %select_n3A_137 = arith.select %select_n3A_134, %select_n3A_136, %select_n3A_135 : i32
        %eq3A_138 = arith.constant 1 : i32
        %eq3A_139 = arith.cmpi eq, %select_n3A_137, %eq3A_138 : i32
        %select_n3A_140 = arith.constant 0 : i32
        %select_n3A_141 = arith.select %eq3A_139, %select_n3A_140, %select_n3A_137 : i32
        %add3A_142 = arith.constant 1 : i32
        %add3A_143 = arith.addi %select_n3A_132, %add3A_142 : i32
        %select_n3A_144 = arith.select %eq3A_139, %add3A_143, %select_n3A_132 : i32
        %eq3A_145 = arith.cmpi eq, %select_n3A_144, %select_n3A : i32
        %select_n3A_146 = arith.constant 0 : i32
        %select_n3A_147 = arith.select %eq3A_145, %select_n3A_146, %select_n3A_144 : i32
        %add3A_148 = arith.addi %select_n3A_147, %select_n3A_84 : i32
        "tpu.trace_start"() <{level = 10 : i32, message = "ep_initialize_0"}> : () -> ()
        %rem3A = arith.constant 0 : i32
        %rem3A_149 = arith.constant 2 : i32
        %rem3A_150 = arith.remui %rem3A, %rem3A_149 : i32
        %mul3A_151 = arith.constant 1 : i32
        %mul3A_152 = arith.muli %mul3A_151, %add3A_101 : i32
        %dma_start3A = arith.constant 0 : i32
        %dma_start3A_153 = arith.constant 0 : i32
        %dma_start3A_154 = tpu.memref_slice %run_scoped3A[%rem3A_150, %dma_start3A, %dma_start3A_153] : memref<2x1x16384xi32, #tpu.memory_space<vmem>> -> memref<1x1x16384xi32, #tpu.memory_space<vmem>>
        %dma_start3A_155 = tpu.memref_squeeze %dma_start3A_154 : memref<1x1x16384xi32, #tpu.memory_space<vmem>> -> memref<1x16384xi32, #tpu.memory_space<vmem>>
        %dma_start3A_156 = arith.constant 0 : i32
        %dma_start3A_157 = tpu.memref_slice %arg2[%mul3A_152, %dma_start3A_156] : memref<200x16384xi32, #tpu.memory_space<hbm>> -> memref<1x16384xi32, #tpu.memory_space<hbm>>
        %dma_start3A_158 = tpu.memref_slice %run_scoped3A_89[%rem3A_150] : memref<2x!tpu.dma_semaphore, #tpu.memory_space<semaphore_mem>> -> memref<1x!tpu.dma_semaphore, #tpu.memory_space<semaphore_mem>>
        %dma_start3A_159 = tpu.memref_squeeze %dma_start3A_158 : memref<1x!tpu.dma_semaphore, #tpu.memory_space<semaphore_mem>> -> memref<!tpu.dma_semaphore, #tpu.memory_space<semaphore_mem>>
        %dma_start3A_160 = arith.constant 0 : i32
        %dma_start3A_161 = arith.constant 0 : i32
        %dma_start3A_162 = tpu.memref_slice %run_scoped3A[%rem3A_150, %dma_start3A_160, %dma_start3A_161] : memref<2x1x16384xi32, #tpu.memory_space<vmem>> -> memref<1x1x16384xi32, #tpu.memory_space<vmem>>
        %dma_start3A_163 = tpu.memref_squeeze %dma_start3A_162 : memref<1x1x16384xi32, #tpu.memory_space<vmem>> -> memref<1x16384xi32, #tpu.memory_space<vmem>>
        %dma_start3A_164 = arith.constant 0 : i32
        %dma_start3A_165 = tpu.memref_slice %arg2[%mul3A_152, %dma_start3A_164] : memref<200x16384xi32, #tpu.memory_space<hbm>> -> memref<1x16384xi32, #tpu.memory_space<hbm>>
        tpu.enqueue_dma source(%dma_start3A_165 : memref<1x16384xi32, #tpu.memory_space<hbm>>) target(%dma_start3A_163 : memref<1x16384xi32, #tpu.memory_space<vmem>>) target_semaphore(%dma_start3A_159 : memref<!tpu.dma_semaphore, #tpu.memory_space<semaphore_mem>>)
        %add3A_166 = arith.constant 0 : i32
        %add3A_167 = arith.constant 1 : i32
        %add3A_168 = arith.addi %add3A_166, %add3A_167 : i32
        %select_n3A_169 = arith.constant true
        %select_n3A_170 = arith.constant 0 : i32
        %select_n3A_171 = arith.select %select_n3A_169, %add3A_168, %select_n3A_170 : i32
        %while3A = arith.constant 0 : i32
        %while3A_172 = arith.constant 0 : i32
        %while3A_173 = arith.constant 0 : i32
        %while3A_174 = arith.constant 0 : i32
        %while3A_175 = arith.constant 0 : i32
        %while3A_176 = arith.constant 0 : i32
        "tpu.trace_stop"() : () -> ()
        %while3A_177 = arith.subi %mul3A_88, %while3A : i32
        %while3A_178 = arith.addi %while3A, %while3A_177 : i32
        %while3A_179 = arith.constant 1 : i32
        %while3A_180 = arith.divsi %while3A_177, %while3A_179 : i32
        %while3A_181 = arith.muli %while3A_180, %while3A_179 : i32
        %while3A_182 = arith.addi %while3A, %while3A_181 : i32
        %while3A_183 = arith.constant 1 : i32
        %while3A_184:6 = scf.for %while3A_268 = %while3A to %while3A_182 step %while3A_183 iter_args(%while3A_269 = %select_n3A_171, %while3A_270 = %while3A_172, %while3A_271 = %while3A_173, %while3A_272 = %while3A_174, %while3A_273 = %while3A_175, %while3A_274 = %while3A_176) -> (i32, i32, i32, i32, i32, i32)  : i32 {
          %mul3A_275 = arith.constant 1 : i32
          %mul3A_276 = arith.muli %mul3A_275, %select_n3A : i32
          %mul3A_277 = arith.constant 1 : i32
          %mul3A_278 = arith.muli %mul3A_276, %mul3A_277 : i32
          %eq3A_279 = arith.constant 0 : i32
          %eq3A_280 = arith.cmpi eq, %while3A_268, %eq3A_279 : i32
          %sub3A_281 = arith.constant 1 : i32
          %sub3A_282 = arith.subi %mul3A_278, %sub3A_281 : i32
          %eq3A_283 = arith.cmpi eq, %while3A_268, %sub3A_282 : i32
          %add3A_284 = arith.addi %while3A_273, %select_n3A_84 : i32
          %select_n3A_285 = arith.constant true
          %select_n3A_286 = arith.constant 0 : i32
          %select_n3A_287 = arith.constant -1 : i32
          %select_n3A_288 = arith.select %select_n3A_285, %select_n3A_287, %select_n3A_286 : i32
          %eq3A_289 = arith.constant -1 : i32
          %eq3A_290 = arith.cmpi eq, %select_n3A_288, %eq3A_289 : i32
          %select_n3A_291 = arith.constant 0 : i32
          %select_n3A_292 = arith.select %eq3A_290, %select_n3A_291, %select_n3A_288 : i32
          %sub3A_293 = arith.constant 1 : i32
          %sub3A_294 = arith.subi %while3A_273, %sub3A_293 : i32
          %select_n3A_295 = arith.select %eq3A_290, %sub3A_294, %while3A_273 : i32
          %eq3A_296 = arith.constant -1 : i32
          %eq3A_297 = arith.cmpi eq, %select_n3A_295, %eq3A_296 : i32
          %sub3A_298 = arith.constant 1 : i32
          %sub3A_299 = arith.subi %select_n3A, %sub3A_298 : i32
          %select_n3A_300 = arith.select %eq3A_297, %sub3A_299, %select_n3A_295 : i32
          %add3A_301 = arith.addi %select_n3A_300, %select_n3A_84 : i32
          %select_n3A_302 = arith.constant true
          %select_n3A_303 = arith.constant 0 : i32
          %select_n3A_304 = arith.constant 1 : i32
          %select_n3A_305 = arith.select %select_n3A_302, %select_n3A_304, %select_n3A_303 : i32
          %eq3A_306 = arith.constant 1 : i32
          %eq3A_307 = arith.cmpi eq, %select_n3A_305, %eq3A_306 : i32
          %select_n3A_308 = arith.constant 0 : i32
          %select_n3A_309 = arith.select %eq3A_307, %select_n3A_308, %select_n3A_305 : i32
          %add3A_310 = arith.constant 1 : i32
          %add3A_311 = arith.addi %while3A_273, %add3A_310 : i32
          %select_n3A_312 = arith.select %eq3A_307, %add3A_311, %while3A_273 : i32
          %eq3A_313 = arith.cmpi eq, %select_n3A_312, %select_n3A : i32
          %select_n3A_314 = arith.constant 0 : i32
          %select_n3A_315 = arith.select %eq3A_313, %select_n3A_314, %select_n3A_312 : i32
          %add3A_316 = arith.addi %select_n3A_315, %select_n3A_84 : i32
          %select_n3A_317 = arith.constant true
          %select_n3A_318 = arith.constant 0 : i32
          %select_n3A_319 = arith.constant 1 : i32
          %select_n3A_320 = arith.select %select_n3A_317, %select_n3A_319, %select_n3A_318 : i32
          %eq3A_321 = arith.constant 1 : i32
          %eq3A_322 = arith.cmpi eq, %select_n3A_320, %eq3A_321 : i32
          %select_n3A_323 = arith.constant 0 : i32
          %select_n3A_324 = arith.select %eq3A_322, %select_n3A_323, %select_n3A_320 : i32
          %add3A_325 = arith.constant 1 : i32
          %add3A_326 = arith.addi %select_n3A_315, %add3A_325 : i32
          %select_n3A_327 = arith.select %eq3A_322, %add3A_326, %select_n3A_315 : i32
          %eq3A_328 = arith.cmpi eq, %select_n3A_327, %select_n3A : i32
          %select_n3A_329 = arith.constant 0 : i32
          %select_n3A_330 = arith.select %eq3A_328, %select_n3A_329, %select_n3A_327 : i32
          %add3A_331 = arith.addi %select_n3A_330, %select_n3A_84 : i32
          %ne3A = arith.cmpi ne, %add3A_284, %add3A_316 : i32
          %or3A = arith.constant false
          %or3A_332 = arith.ori %or3A, %ne3A : i1
          %or3A_333 = arith.constant false
          %or3A_334 = arith.ori %or3A_332, %or3A_333 : i1
          %sub3A_335 = arith.constant 2 : i32
          %sub3A_336 = arith.subi %mul3A_278, %sub3A_335 : i32
          %add3A_337 = arith.constant 1 : i32
          %add3A_338 = arith.addi %sub3A_336, %add3A_337 : i32
          %ge3A = arith.cmpi sge, %while3A_268, %add3A_338 : i32
          %not3A = arith.constant true
          %not3A_339 = arith.xori %ge3A, %not3A : i1
          %and3A = arith.andi %or3A_334, %not3A_339 : i1
          %convert_element_type3A_340 = arith.extui %and3A : i1 to i32
          %cond3A_341 = arith.constant 0 : i32
          %cond3A_342 = arith.cmpi ne, %convert_element_type3A_340, %cond3A_341 : i32
          scf.if %cond3A_342 {
            "tpu.trace_start"() <{level = 10 : i32, message = "ep_copy_in"}> : () -> ()
            %rem3A_489 = arith.constant 2 : i32
            %rem3A_490 = arith.remui %while3A_269, %rem3A_489 : i32
            %mul3A_491 = arith.constant 1 : i32
            %mul3A_492 = arith.muli %mul3A_491, %add3A_316 : i32
            %dma_start3A_493 = arith.constant 0 : i32
            %dma_start3A_494 = arith.constant 0 : i32
            %dma_start3A_495 = tpu.memref_slice %run_scoped3A[%rem3A_490, %dma_start3A_493, %dma_start3A_494] : memref<2x1x16384xi32, #tpu.memory_space<vmem>> -> memref<1x1x16384xi32, #tpu.memory_space<vmem>>
            %dma_start3A_496 = tpu.memref_squeeze %dma_start3A_495 : memref<1x1x16384xi32, #tpu.memory_space<vmem>> -> memref<1x16384xi32, #tpu.memory_space<vmem>>
            %dma_start3A_497 = arith.constant 0 : i32
            %dma_start3A_498 = tpu.memref_slice %arg2[%mul3A_492, %dma_start3A_497] : memref<200x16384xi32, #tpu.memory_space<hbm>> -> memref<1x16384xi32, #tpu.memory_space<hbm>>
            %dma_start3A_499 = tpu.memref_slice %run_scoped3A_89[%rem3A_490] : memref<2x!tpu.dma_semaphore, #tpu.memory_space<semaphore_mem>> -> memref<1x!tpu.dma_semaphore, #tpu.memory_space<semaphore_mem>>
            %dma_start3A_500 = tpu.memref_squeeze %dma_start3A_499 : memref<1x!tpu.dma_semaphore, #tpu.memory_space<semaphore_mem>> -> memref<!tpu.dma_semaphore, #tpu.memory_space<semaphore_mem>>
            %dma_start3A_501 = arith.constant 0 : i32
            %dma_start3A_502 = arith.constant 0 : i32
            %dma_start3A_503 = tpu.memref_slice %run_scoped3A[%rem3A_490, %dma_start3A_501, %dma_start3A_502] : memref<2x1x16384xi32, #tpu.memory_space<vmem>> -> memref<1x1x16384xi32, #tpu.memory_space<vmem>>
            %dma_start3A_504 = tpu.memref_squeeze %dma_start3A_503 : memref<1x1x16384xi32, #tpu.memory_space<vmem>> -> memref<1x16384xi32, #tpu.memory_space<vmem>>
            %dma_start3A_505 = arith.constant 0 : i32
            %dma_start3A_506 = tpu.memref_slice %arg2[%mul3A_492, %dma_start3A_505] : memref<200x16384xi32, #tpu.memory_space<hbm>> -> memref<1x16384xi32, #tpu.memory_space<hbm>>
            tpu.enqueue_dma source(%dma_start3A_506 : memref<1x16384xi32, #tpu.memory_space<hbm>>) target(%dma_start3A_504 : memref<1x16384xi32, #tpu.memory_space<vmem>>) target_semaphore(%dma_start3A_500 : memref<!tpu.dma_semaphore, #tpu.memory_space<semaphore_mem>>)
            "tpu.trace_stop"() : () -> ()
          } else {
          }
          %and3A_343 = arith.constant true
          %and3A_344 = arith.andi %and3A, %and3A_343 : i1
          %add3A_345 = arith.constant 1 : i32
          %add3A_346 = arith.addi %while3A_269, %add3A_345 : i32
          %select_n3A_347 = arith.select %and3A_344, %add3A_346, %while3A_269 : i32
          %mul3A_348 = arith.constant 1 : i32
          %mul3A_349 = arith.muli %add3A_284, %mul3A_348 : i32
          %add3A_350 = arith.constant 0 : i32
          %add3A_351 = arith.addi %mul3A_349, %add3A_350 : i32
          %mul3A_352 = arith.constant 1 : i32
          %mul3A_353 = arith.muli %add3A_316, %mul3A_352 : i32
          %add3A_354 = arith.constant 0 : i32
          %add3A_355 = arith.addi %mul3A_353, %add3A_354 : i32
          %ne3A_356 = arith.cmpi ne, %add3A_351, %add3A_355 : i32
          %or3A_357 = arith.constant false
          %or3A_358 = arith.ori %or3A_357, %ne3A_356 : i1
          %sub3A_359 = arith.constant 2 : i32
          %sub3A_360 = arith.subi %mul3A_278, %sub3A_359 : i32
          %add3A_361 = arith.constant 1 : i32
          %add3A_362 = arith.addi %sub3A_360, %add3A_361 : i32
          %ge3A_363 = arith.cmpi sge, %while3A_268, %add3A_362 : i32
          %not3A_364 = arith.constant true
          %not3A_365 = arith.xori %ge3A_363, %not3A_364 : i1
          %and3A_366 = arith.andi %or3A_358, %not3A_365 : i1
          %ne3A_367 = arith.cmpi ne, %add3A_284, %add3A_301 : i32
          %or3A_368 = arith.constant false
          %or3A_369 = arith.ori %or3A_368, %ne3A_367 : i1
          %or3A_370 = arith.constant false
          %or3A_371 = arith.ori %or3A_369, %or3A_370 : i1
          %or3A_372 = arith.ori %or3A_371, %eq3A_280 : i1
          %convert_element_type3A_373 = arith.extui %or3A_372 : i1 to i32
          %cond3A_374 = arith.constant 0 : i32
          %cond3A_375 = arith.cmpi ne, %convert_element_type3A_373, %cond3A_374 : i32
          scf.if %cond3A_375 {
            "tpu.trace_start"() <{level = 10 : i32, message = "ep_wait_in"}> : () -> ()
            %mul3A_489 = arith.constant 1 : i32
            %mul3A_490 = arith.muli %mul3A_489, %add3A_284 : i32
            %rem3A_491 = arith.constant 2 : i32
            %rem3A_492 = arith.remui %while3A_270, %rem3A_491 : i32
            %dma_wait3A = arith.constant 0 : i32
            %dma_wait3A_493 = arith.constant 0 : i32
            %dma_wait3A_494 = tpu.memref_slice %run_scoped3A[%rem3A_492, %dma_wait3A, %dma_wait3A_493] : memref<2x1x16384xi32, #tpu.memory_space<vmem>> -> memref<1x1x16384xi32, #tpu.memory_space<vmem>>
            %dma_wait3A_495 = tpu.memref_squeeze %dma_wait3A_494 : memref<1x1x16384xi32, #tpu.memory_space<vmem>> -> memref<1x16384xi32, #tpu.memory_space<vmem>>
            %dma_wait3A_496 = arith.constant 0 : i32
            %dma_wait3A_497 = tpu.memref_slice %arg2[%mul3A_490, %dma_wait3A_496] : memref<200x16384xi32, #tpu.memory_space<hbm>> -> memref<1x16384xi32, #tpu.memory_space<hbm>>
            %dma_wait3A_498 = tpu.memref_slice %run_scoped3A_89[%rem3A_492] : memref<2x!tpu.dma_semaphore, #tpu.memory_space<semaphore_mem>> -> memref<1x!tpu.dma_semaphore, #tpu.memory_space<semaphore_mem>>
            %dma_wait3A_499 = tpu.memref_squeeze %dma_wait3A_498 : memref<1x!tpu.dma_semaphore, #tpu.memory_space<semaphore_mem>> -> memref<!tpu.dma_semaphore, #tpu.memory_space<semaphore_mem>>
            %dma_wait3A_500 = arith.constant 0 : i32
            %dma_wait3A_501 = arith.constant 0 : i32
            %dma_wait3A_502 = tpu.memref_slice %run_scoped3A[%rem3A_492, %dma_wait3A_500, %dma_wait3A_501] : memref<2x1x16384xi32, #tpu.memory_space<vmem>> -> memref<1x1x16384xi32, #tpu.memory_space<vmem>>
            %dma_wait3A_503 = tpu.memref_squeeze %dma_wait3A_502 : memref<1x1x16384xi32, #tpu.memory_space<vmem>> -> memref<1x16384xi32, #tpu.memory_space<vmem>>
            %dma_wait3A_504 = arith.constant 0 : i32
            %dma_wait3A_505 = tpu.memref_slice %arg2[%mul3A_490, %dma_wait3A_504] : memref<200x16384xi32, #tpu.memory_space<hbm>> -> memref<1x16384xi32, #tpu.memory_space<hbm>>
            tpu.wait_dma2 semaphore(%dma_wait3A_499 : memref<!tpu.dma_semaphore, #tpu.memory_space<semaphore_mem>>) src(%dma_wait3A_505 : memref<1x16384xi32, #tpu.memory_space<hbm>>) dst(%dma_wait3A_503 : memref<1x16384xi32, #tpu.memory_space<vmem>>)
            "tpu.trace_stop"() : () -> ()
          } else {
          }
          %mul3A_376 = arith.constant 1 : i32
          %mul3A_377 = arith.muli %add3A_284, %mul3A_376 : i32
          %add3A_378 = arith.constant 0 : i32
          %add3A_379 = arith.addi %mul3A_377, %add3A_378 : i32
          %mul3A_380 = arith.constant 1 : i32
          %mul3A_381 = arith.muli %add3A_301, %mul3A_380 : i32
          %add3A_382 = arith.constant 0 : i32
          %add3A_383 = arith.addi %mul3A_381, %add3A_382 : i32
          %ne3A_384 = arith.cmpi ne, %add3A_379, %add3A_383 : i32
          %or3A_385 = arith.constant false
          %or3A_386 = arith.ori %or3A_385, %ne3A_384 : i1
          %or3A_387 = arith.ori %or3A_386, %eq3A_280 : i1
          %convert_element_type3A_388 = arith.extui %or3A_387 : i1 to i32
          %cond3A_389 = arith.constant 0 : i32
          %cond3A_390 = arith.cmpi ne, %convert_element_type3A_388, %cond3A_389 : i32
          scf.if %cond3A_390 {
          } else {
          }
          %rem3A_391 = arith.constant 2 : i32
          %rem3A_392 = arith.remui %while3A_270, %rem3A_391 : i32
          %rem3A_393 = arith.constant 2 : i32
          %rem3A_394 = arith.remui %while3A_271, %rem3A_393 : i32
          %mul3A_395 = arith.constant 16384 : i32
          %mul3A_396 = arith.muli %rem3A_394, %mul3A_395 : i32
          %parallel_loop3A = arith.constant 0 : i32
          %parallel_loop3A_397 = arith.constant 16384 : i32
          %parallel_loop3A_398 = arith.constant 16 : i32
          "tpu.trace_start"() <{level = 10 : i32, message = "ep_run_kernel"}> : () -> ()
          scf.for %parallel_loop3A_489 = %parallel_loop3A to %parallel_loop3A_397 step %parallel_loop3A_398  : i32 {
            %parallel_loop3A_490 = arith.constant 0 : i32
            %parallel_loop3A_491 = arith.constant 0 : i32
            %parallel_loop3A_492 = arith.constant 0 : i32
            %parallel_loop3A_493 = tpu.memref_slice %run_scoped3A[%rem3A_392, %parallel_loop3A_491, %parallel_loop3A_492] : memref<2x1x16384xi32, #tpu.memory_space<vmem>> -> memref<1x1x16384xi32, #tpu.memory_space<vmem>>
            %parallel_loop3A_494 = tpu.memref_squeeze %parallel_loop3A_493 : memref<1x1x16384xi32, #tpu.memory_space<vmem>> -> memref<1x16384xi32, #tpu.memory_space<vmem>>
            %parallel_loop3A_495 = arith.index_cast %parallel_loop3A_490 : i32 to index
            %parallel_loop3A_496 = arith.index_cast %parallel_loop3A_489 : i32 to index
            %parallel_loop3A_497 = tpu.vector_load %parallel_loop3A_494[%parallel_loop3A_495, %parallel_loop3A_496] {strides = array<i32>} : memref<1x16384xi32, #tpu.memory_space<vmem>>, vector<1x16xi32>,
            %parallel_loop3A_498 = vector.shape_cast %parallel_loop3A_497 : vector<1x16xi32> to vector<16xi32>
            %parallel_loop3A_499 = vector.shape_cast %parallel_loop3A_498 : vector<16xi32> to vector<16x1xi32>
            %parallel_loop3A_500 = vector.shape_cast %parallel_loop3A_499 : vector<16x1xi32> to vector<16xi32>
            %parallel_loop3A_501 = tpu.dynamic_gather %add3A_67[%parallel_loop3A_500] in [0] : vector<16xf32>, vector<16xi32> -> vector<16xf32>
            %parallel_loop3A_502 = tpu.memref_slice %run_scoped3A_90[%mul3A_396] : memref<32768xf32, #tpu.memory_space<vmem>> -> memref<16384xf32, #tpu.memory_space<vmem>>
            %parallel_loop3A_503 = arith.index_cast %parallel_loop3A_489 : i32 to index
            %parallel_loop3A_504 = tpu.vector_load %parallel_loop3A_502[%parallel_loop3A_503] {strides = array<i32>} : memref<16384xf32, #tpu.memory_space<vmem>>, vector<16xf32>,
            %parallel_loop3A_505 = vector.shape_cast %parallel_loop3A_504 : vector<16xf32> to vector<16xf32>
            %parallel_loop3A_506 = vector.shape_cast %parallel_loop3A_501 : vector<16xf32> to vector<16xf32>
            tpu.vector_store %parallel_loop3A_502[%parallel_loop3A_503], %parallel_loop3A_506 {strides = array<i32>} : memref<16384xf32, #tpu.memory_space<vmem>>, vector<16xf32>,
          } {sc.loop_unroll_factor = 16 : i64, sc.parallel_access}
          "tpu.trace_stop"() : () -> ()
          %ne3A_399 = arith.cmpi ne, %add3A_284, %add3A_316 : i32
          %or3A_400 = arith.constant false
          %or3A_401 = arith.ori %or3A_400, %ne3A_399 : i1
          %or3A_402 = arith.constant false
          %or3A_403 = arith.ori %or3A_401, %or3A_402 : i1
          %or3A_404 = arith.ori %or3A_403, %eq3A_283 : i1
          %convert_element_type3A_405 = arith.extui %or3A_404 : i1 to i32
          %cond3A_406 = arith.constant 0 : i32
          %cond3A_407 = arith.cmpi ne, %convert_element_type3A_405, %cond3A_406 : i32
          scf.if %cond3A_407 {
          } else {
          }
          %and3A_408 = arith.constant false
          %and3A_409 = arith.andi %or3A_404, %and3A_408 : i1
          %mul3A_410 = arith.constant 1 : i32
          %mul3A_411 = arith.muli %add3A_284, %mul3A_410 : i32
          %add3A_412 = arith.constant 0 : i32
          %add3A_413 = arith.addi %mul3A_411, %add3A_412 : i32
          %mul3A_414 = arith.constant 1 : i32
          %mul3A_415 = arith.muli %add3A_316, %mul3A_414 : i32
          %add3A_416 = arith.constant 0 : i32
          %add3A_417 = arith.addi %mul3A_415, %add3A_416 : i32
          %ne3A_418 = arith.cmpi ne, %add3A_413, %add3A_417 : i32
          %or3A_419 = arith.constant false
          %or3A_420 = arith.ori %or3A_419, %ne3A_418 : i1
          %or3A_421 = arith.ori %or3A_420, %eq3A_283 : i1
          %convert_element_type3A_422 = arith.extui %or3A_421 : i1 to i32
          %cond3A_423 = arith.constant 0 : i32
          %cond3A_424 = arith.cmpi ne, %convert_element_type3A_422, %cond3A_423 : i32
          scf.if %cond3A_424 {
            "tpu.trace_start"() <{level = 10 : i32, message = "ep_copy_out"}> : () -> ()
            %rem3A_489 = arith.constant 2 : i32
            %rem3A_490 = arith.remui %while3A_271, %rem3A_489 : i32
            %mul3A_491 = arith.constant 1 : i32
            %mul3A_492 = arith.muli %add3A_284, %mul3A_491 : i32
            %add3A_493 = arith.constant 0 : i32
            %add3A_494 = arith.addi %mul3A_492, %add3A_493 : i32
            %mul3A_495 = arith.constant 16384 : i32
            %mul3A_496 = arith.muli %mul3A_495, %add3A_494 : i32
            %mul3A_497 = arith.constant 16384 : i32
            %mul3A_498 = arith.muli %rem3A_490, %mul3A_497 : i32
            %add3A_499 = arith.constant 0 : i32
            %add3A_500 = arith.addi %mul3A_498, %add3A_499 : i32
            %dma_start3A_501 = tpu.memref_slice %run_scoped3A_90[%add3A_500] : memref<32768xf32, #tpu.memory_space<vmem>> -> memref<16384xf32, #tpu.memory_space<vmem>>
            %dma_start3A_502 = tpu.memref_slice %arg5[%mul3A_496] : memref<3276800xf32, #tpu.memory_space<hbm>> -> memref<16384xf32, #tpu.memory_space<hbm>>
            %dma_start3A_503 = tpu.memref_slice %run_scoped3A_91[%rem3A_490] : memref<2x!tpu.dma_semaphore, #tpu.memory_space<semaphore_mem>> -> memref<1x!tpu.dma_semaphore, #tpu.memory_space<semaphore_mem>>
            %dma_start3A_504 = tpu.memref_squeeze %dma_start3A_503 : memref<1x!tpu.dma_semaphore, #tpu.memory_space<semaphore_mem>> -> memref<!tpu.dma_semaphore, #tpu.memory_space<semaphore_mem>>
            %dma_start3A_505 = tpu.memref_slice %arg5[%mul3A_496] : memref<3276800xf32, #tpu.memory_space<hbm>> -> memref<16384xf32, #tpu.memory_space<hbm>>
            %dma_start3A_506 = tpu.memref_slice %run_scoped3A_90[%add3A_500] : memref<32768xf32, #tpu.memory_space<vmem>> -> memref<16384xf32, #tpu.memory_space<vmem>>
            tpu.enqueue_dma source(%dma_start3A_506 : memref<16384xf32, #tpu.memory_space<vmem>>) target(%dma_start3A_505 : memref<16384xf32, #tpu.memory_space<hbm>>) target_semaphore(%dma_start3A_504 : memref<!tpu.dma_semaphore, #tpu.memory_space<semaphore_mem>>)
            "tpu.trace_stop"() : () -> ()
          } else {
          }
          %and3A_425 = arith.constant true
          %and3A_426 = arith.andi %or3A_421, %and3A_425 : i1
          %add3A_427 = arith.constant 1 : i32
          %add3A_428 = arith.addi %while3A_271, %add3A_427 : i32
          %select_n3A_429 = arith.select %and3A_426, %add3A_428, %while3A_271 : i32
          %ne3A_430 = arith.cmpi ne, %add3A_284, %add3A_301 : i32
          %or3A_431 = arith.constant false
          %or3A_432 = arith.ori %or3A_431, %ne3A_430 : i1
          %or3A_433 = arith.constant false
          %or3A_434 = arith.ori %or3A_432, %or3A_433 : i1
          %not3A_435 = arith.constant true
          %not3A_436 = arith.xori %eq3A_280, %not3A_435 : i1
          %and3A_437 = arith.andi %or3A_434, %not3A_436 : i1
          %convert_element_type3A_438 = arith.extui %and3A_437 : i1 to i32
          %cond3A_439 = arith.constant 0 : i32
          %cond3A_440 = arith.cmpi ne, %convert_element_type3A_438, %cond3A_439 : i32
          scf.if %cond3A_440 {
          } else {
          }
          %and3A_441 = arith.constant false
          %and3A_442 = arith.andi %and3A_437, %and3A_441 : i1
          %mul3A_443 = arith.constant 1 : i32
          %mul3A_444 = arith.muli %add3A_284, %mul3A_443 : i32
          %add3A_445 = arith.constant 0 : i32
          %add3A_446 = arith.addi %mul3A_444, %add3A_445 : i32
          %mul3A_447 = arith.constant 1 : i32
          %mul3A_448 = arith.muli %add3A_301, %mul3A_447 : i32
          %add3A_449 = arith.constant 0 : i32
          %add3A_450 = arith.addi %mul3A_448, %add3A_449 : i32
          %ne3A_451 = arith.cmpi ne, %add3A_446, %add3A_450 : i32
          %or3A_452 = arith.constant false
          %or3A_453 = arith.ori %or3A_452, %ne3A_451 : i1
          %not3A_454 = arith.constant true
          %not3A_455 = arith.xori %eq3A_280, %not3A_454 : i1
          %and3A_456 = arith.andi %or3A_453, %not3A_455 : i1
          %convert_element_type3A_457 = arith.extui %and3A_456 : i1 to i32
          %cond3A_458 = arith.constant 0 : i32
          %cond3A_459 = arith.cmpi ne, %convert_element_type3A_457, %cond3A_458 : i32
          scf.if %cond3A_459 {
            "tpu.trace_start"() <{level = 10 : i32, message = "ep_wait_out"}> : () -> ()
            %rem3A_489 = arith.constant 2 : i32
            %rem3A_490 = arith.remui %while3A_272, %rem3A_489 : i32
            %mul3A_491 = arith.constant 1 : i32
            %mul3A_492 = arith.muli %add3A_301, %mul3A_491 : i32
            %add3A_493 = arith.constant 0 : i32
            %add3A_494 = arith.addi %mul3A_492, %add3A_493 : i32
            %mul3A_495 = arith.constant 16384 : i32
            %mul3A_496 = arith.muli %mul3A_495, %add3A_494 : i32
            %mul3A_497 = arith.constant 16384 : i32
            %mul3A_498 = arith.muli %rem3A_490, %mul3A_497 : i32
            %add3A_499 = arith.constant 0 : i32
            %add3A_500 = arith.addi %mul3A_498, %add3A_499 : i32
            %dma_wait3A = tpu.memref_slice %run_scoped3A_90[%add3A_500] : memref<32768xf32, #tpu.memory_space<vmem>> -> memref<16384xf32, #tpu.memory_space<vmem>>
            %dma_wait3A_501 = tpu.memref_slice %arg5[%mul3A_496] : memref<3276800xf32, #tpu.memory_space<hbm>> -> memref<16384xf32, #tpu.memory_space<hbm>>
            %dma_wait3A_502 = tpu.memref_slice %run_scoped3A_91[%rem3A_490] : memref<2x!tpu.dma_semaphore, #tpu.memory_space<semaphore_mem>> -> memref<1x!tpu.dma_semaphore, #tpu.memory_space<semaphore_mem>>
            %dma_wait3A_503 = tpu.memref_squeeze %dma_wait3A_502 : memref<1x!tpu.dma_semaphore, #tpu.memory_space<semaphore_mem>> -> memref<!tpu.dma_semaphore, #tpu.memory_space<semaphore_mem>>
            %dma_wait3A_504 = tpu.memref_slice %arg5[%mul3A_496] : memref<3276800xf32, #tpu.memory_space<hbm>> -> memref<16384xf32, #tpu.memory_space<hbm>>
            %dma_wait3A_505 = tpu.memref_slice %run_scoped3A_90[%add3A_500] : memref<32768xf32, #tpu.memory_space<vmem>> -> memref<16384xf32, #tpu.memory_space<vmem>>
            tpu.wait_dma2 semaphore(%dma_wait3A_503 : memref<!tpu.dma_semaphore, #tpu.memory_space<semaphore_mem>>) src(%dma_wait3A_505 : memref<16384xf32, #tpu.memory_space<vmem>>) dst(%dma_wait3A_504 : memref<16384xf32, #tpu.memory_space<hbm>>)
            "tpu.trace_stop"() : () -> ()
          } else {
          }
          %and3A_460 = arith.constant true
          %and3A_461 = arith.andi %and3A_456, %and3A_460 : i1
          %add3A_462 = arith.constant 1 : i32
          %add3A_463 = arith.addi %while3A_272, %add3A_462 : i32
          %select_n3A_464 = arith.select %and3A_461, %add3A_463, %while3A_272 : i32
          %ne3A_465 = arith.cmpi ne, %add3A_284, %add3A_316 : i32
          %or3A_466 = arith.constant false
          %or3A_467 = arith.ori %or3A_466, %ne3A_465 : i1
          %or3A_468 = arith.constant false
          %or3A_469 = arith.ori %or3A_467, %or3A_468 : i1
          %or3A_470 = arith.ori %or3A_469, %eq3A_283 : i1
          %add3A_471 = arith.constant 1 : i32
          %add3A_472 = arith.addi %while3A_270, %add3A_471 : i32
          %select_n3A_473 = arith.select %or3A_470, %add3A_472, %while3A_270 : i32
          %select_n3A_474 = arith.constant true
          %select_n3A_475 = arith.constant 0 : i32
          %select_n3A_476 = arith.constant 1 : i32
          %select_n3A_477 = arith.select %select_n3A_474, %select_n3A_476, %select_n3A_475 : i32
          %eq3A_478 = arith.constant 1 : i32
          %eq3A_479 = arith.cmpi eq, %select_n3A_477, %eq3A_478 : i32
          %select_n3A_480 = arith.constant 0 : i32
          %select_n3A_481 = arith.select %eq3A_479, %select_n3A_480, %select_n3A_477 : i32
          %add3A_482 = arith.constant 1 : i32
          %add3A_483 = arith.addi %while3A_273, %add3A_482 : i32
          %select_n3A_484 = arith.select %eq3A_479, %add3A_483, %while3A_273 : i32
          %eq3A_485 = arith.cmpi eq, %select_n3A_484, %select_n3A : i32
          %select_n3A_486 = arith.constant 0 : i32
          %select_n3A_487 = arith.select %eq3A_485, %select_n3A_486, %select_n3A_484 : i32
          %while3A_488 = arith.constant 0 : i32
          scf.yield %select_n3A_347, %select_n3A_473, %select_n3A_429, %select_n3A_464, %select_n3A_487, %while3A_488 : i32, i32, i32, i32, i32, i32
        }
        %while3A_185 = arith.constant 1 : i32
        %while3A_186:6 = scf.for %while3A_268 = %while3A_182 to %while3A_178 step %while3A_185 iter_args(%while3A_269 = %while3A_184#0, %while3A_270 = %while3A_184#1, %while3A_271 = %while3A_184#2, %while3A_272 = %while3A_184#3, %while3A_273 = %while3A_184#4, %while3A_274 = %while3A_184#5) -> (i32, i32, i32, i32, i32, i32)  : i32 {
          %mul3A_275 = arith.constant 1 : i32
          %mul3A_276 = arith.muli %mul3A_275, %select_n3A : i32
          %mul3A_277 = arith.constant 1 : i32
          %mul3A_278 = arith.muli %mul3A_276, %mul3A_277 : i32
          %eq3A_279 = arith.constant 0 : i32
          %eq3A_280 = arith.cmpi eq, %while3A_268, %eq3A_279 : i32
          %sub3A_281 = arith.constant 1 : i32
          %sub3A_282 = arith.subi %mul3A_278, %sub3A_281 : i32
          %eq3A_283 = arith.cmpi eq, %while3A_268, %sub3A_282 : i32
          %add3A_284 = arith.addi %while3A_273, %select_n3A_84 : i32
          %select_n3A_285 = arith.constant true
          %select_n3A_286 = arith.constant 0 : i32
          %select_n3A_287 = arith.constant -1 : i32
          %select_n3A_288 = arith.select %select_n3A_285, %select_n3A_287, %select_n3A_286 : i32
          %eq3A_289 = arith.constant -1 : i32
          %eq3A_290 = arith.cmpi eq, %select_n3A_288, %eq3A_289 : i32
          %select_n3A_291 = arith.constant 0 : i32
          %select_n3A_292 = arith.select %eq3A_290, %select_n3A_291, %select_n3A_288 : i32
          %sub3A_293 = arith.constant 1 : i32
          %sub3A_294 = arith.subi %while3A_273, %sub3A_293 : i32
          %select_n3A_295 = arith.select %eq3A_290, %sub3A_294, %while3A_273 : i32
          %eq3A_296 = arith.constant -1 : i32
          %eq3A_297 = arith.cmpi eq, %select_n3A_295, %eq3A_296 : i32
          %sub3A_298 = arith.constant 1 : i32
          %sub3A_299 = arith.subi %select_n3A, %sub3A_298 : i32
          %select_n3A_300 = arith.select %eq3A_297, %sub3A_299, %select_n3A_295 : i32
          %add3A_301 = arith.addi %select_n3A_300, %select_n3A_84 : i32
          %select_n3A_302 = arith.constant true
          %select_n3A_303 = arith.constant 0 : i32
          %select_n3A_304 = arith.constant 1 : i32
          %select_n3A_305 = arith.select %select_n3A_302, %select_n3A_304, %select_n3A_303 : i32
          %eq3A_306 = arith.constant 1 : i32
          %eq3A_307 = arith.cmpi eq, %select_n3A_305, %eq3A_306 : i32
          %select_n3A_308 = arith.constant 0 : i32
          %select_n3A_309 = arith.select %eq3A_307, %select_n3A_308, %select_n3A_305 : i32
          %add3A_310 = arith.constant 1 : i32
          %add3A_311 = arith.addi %while3A_273, %add3A_310 : i32
          %select_n3A_312 = arith.select %eq3A_307, %add3A_311, %while3A_273 : i32
          %eq3A_313 = arith.cmpi eq, %select_n3A_312, %select_n3A : i32
          %select_n3A_314 = arith.constant 0 : i32
          %select_n3A_315 = arith.select %eq3A_313, %select_n3A_314, %select_n3A_312 : i32
          %add3A_316 = arith.addi %select_n3A_315, %select_n3A_84 : i32
          %select_n3A_317 = arith.constant true
          %select_n3A_318 = arith.constant 0 : i32
          %select_n3A_319 = arith.constant 1 : i32
          %select_n3A_320 = arith.select %select_n3A_317, %select_n3A_319, %select_n3A_318 : i32
          %eq3A_321 = arith.constant 1 : i32
          %eq3A_322 = arith.cmpi eq, %select_n3A_320, %eq3A_321 : i32
          %select_n3A_323 = arith.constant 0 : i32
          %select_n3A_324 = arith.select %eq3A_322, %select_n3A_323, %select_n3A_320 : i32
          %add3A_325 = arith.constant 1 : i32
          %add3A_326 = arith.addi %select_n3A_315, %add3A_325 : i32
          %select_n3A_327 = arith.select %eq3A_322, %add3A_326, %select_n3A_315 : i32
          %eq3A_328 = arith.cmpi eq, %select_n3A_327, %select_n3A : i32
          %select_n3A_329 = arith.constant 0 : i32
          %select_n3A_330 = arith.select %eq3A_328, %select_n3A_329, %select_n3A_327 : i32
          %add3A_331 = arith.addi %select_n3A_330, %select_n3A_84 : i32
          %ne3A = arith.cmpi ne, %add3A_284, %add3A_316 : i32
          %or3A = arith.constant false
          %or3A_332 = arith.ori %or3A, %ne3A : i1
          %or3A_333 = arith.constant false
          %or3A_334 = arith.ori %or3A_332, %or3A_333 : i1
          %sub3A_335 = arith.constant 2 : i32
          %sub3A_336 = arith.subi %mul3A_278, %sub3A_335 : i32
          %add3A_337 = arith.constant 1 : i32
          %add3A_338 = arith.addi %sub3A_336, %add3A_337 : i32
          %ge3A = arith.cmpi sge, %while3A_268, %add3A_338 : i32
          %not3A = arith.constant true
          %not3A_339 = arith.xori %ge3A, %not3A : i1
          %and3A = arith.andi %or3A_334, %not3A_339 : i1
          %convert_element_type3A_340 = arith.extui %and3A : i1 to i32
          %cond3A_341 = arith.constant 0 : i32
          %cond3A_342 = arith.cmpi ne, %convert_element_type3A_340, %cond3A_341 : i32
          scf.if %cond3A_342 {
            "tpu.trace_start"() <{level = 10 : i32, message = "ep_copy_in"}> : () -> ()
            %rem3A_489 = arith.constant 2 : i32
            %rem3A_490 = arith.remui %while3A_269, %rem3A_489 : i32
            %mul3A_491 = arith.constant 1 : i32
            %mul3A_492 = arith.muli %mul3A_491, %add3A_316 : i32
            %dma_start3A_493 = arith.constant 0 : i32
            %dma_start3A_494 = arith.constant 0 : i32
            %dma_start3A_495 = tpu.memref_slice %run_scoped3A[%rem3A_490, %dma_start3A_493, %dma_start3A_494] : memref<2x1x16384xi32, #tpu.memory_space<vmem>> -> memref<1x1x16384xi32, #tpu.memory_space<vmem>>
            %dma_start3A_496 = tpu.memref_squeeze %dma_start3A_495 : memref<1x1x16384xi32, #tpu.memory_space<vmem>> -> memref<1x16384xi32, #tpu.memory_space<vmem>>
            %dma_start3A_497 = arith.constant 0 : i32
            %dma_start3A_498 = tpu.memref_slice %arg2[%mul3A_492, %dma_start3A_497] : memref<200x16384xi32, #tpu.memory_space<hbm>> -> memref<1x16384xi32, #tpu.memory_space<hbm>>
            %dma_start3A_499 = tpu.memref_slice %run_scoped3A_89[%rem3A_490] : memref<2x!tpu.dma_semaphore, #tpu.memory_space<semaphore_mem>> -> memref<1x!tpu.dma_semaphore, #tpu.memory_space<semaphore_mem>>
            %dma_start3A_500 = tpu.memref_squeeze %dma_start3A_499 : memref<1x!tpu.dma_semaphore, #tpu.memory_space<semaphore_mem>> -> memref<!tpu.dma_semaphore, #tpu.memory_space<semaphore_mem>>
            %dma_start3A_501 = arith.constant 0 : i32
            %dma_start3A_502 = arith.constant 0 : i32
            %dma_start3A_503 = tpu.memref_slice %run_scoped3A[%rem3A_490, %dma_start3A_501, %dma_start3A_502] : memref<2x1x16384xi32, #tpu.memory_space<vmem>> -> memref<1x1x16384xi32, #tpu.memory_space<vmem>>
            %dma_start3A_504 = tpu.memref_squeeze %dma_start3A_503 : memref<1x1x16384xi32, #tpu.memory_space<vmem>> -> memref<1x16384xi32, #tpu.memory_space<vmem>>
            %dma_start3A_505 = arith.constant 0 : i32
            %dma_start3A_506 = tpu.memref_slice %arg2[%mul3A_492, %dma_start3A_505] : memref<200x16384xi32, #tpu.memory_space<hbm>> -> memref<1x16384xi32, #tpu.memory_space<hbm>>
            tpu.enqueue_dma source(%dma_start3A_506 : memref<1x16384xi32, #tpu.memory_space<hbm>>) target(%dma_start3A_504 : memref<1x16384xi32, #tpu.memory_space<vmem>>) target_semaphore(%dma_start3A_500 : memref<!tpu.dma_semaphore, #tpu.memory_space<semaphore_mem>>)
            "tpu.trace_stop"() : () -> ()
          } else {
          }
          %and3A_343 = arith.constant true
          %and3A_344 = arith.andi %and3A, %and3A_343 : i1
          %add3A_345 = arith.constant 1 : i32
          %add3A_346 = arith.addi %while3A_269, %add3A_345 : i32
          %select_n3A_347 = arith.select %and3A_344, %add3A_346, %while3A_269 : i32
          %mul3A_348 = arith.constant 1 : i32
          %mul3A_349 = arith.muli %add3A_284, %mul3A_348 : i32
          %add3A_350 = arith.constant 0 : i32
          %add3A_351 = arith.addi %mul3A_349, %add3A_350 : i32
          %mul3A_352 = arith.constant 1 : i32
          %mul3A_353 = arith.muli %add3A_316, %mul3A_352 : i32
          %add3A_354 = arith.constant 0 : i32
          %add3A_355 = arith.addi %mul3A_353, %add3A_354 : i32
          %ne3A_356 = arith.cmpi ne, %add3A_351, %add3A_355 : i32
          %or3A_357 = arith.constant false
          %or3A_358 = arith.ori %or3A_357, %ne3A_356 : i1
          %sub3A_359 = arith.constant 2 : i32
          %sub3A_360 = arith.subi %mul3A_278, %sub3A_359 : i32
          %add3A_361 = arith.constant 1 : i32
          %add3A_362 = arith.addi %sub3A_360, %add3A_361 : i32
          %ge3A_363 = arith.cmpi sge, %while3A_268, %add3A_362 : i32
          %not3A_364 = arith.constant true
          %not3A_365 = arith.xori %ge3A_363, %not3A_364 : i1
          %and3A_366 = arith.andi %or3A_358, %not3A_365 : i1
          %ne3A_367 = arith.cmpi ne, %add3A_284, %add3A_301 : i32
          %or3A_368 = arith.constant false
          %or3A_369 = arith.ori %or3A_368, %ne3A_367 : i1
          %or3A_370 = arith.constant false
          %or3A_371 = arith.ori %or3A_369, %or3A_370 : i1
          %or3A_372 = arith.ori %or3A_371, %eq3A_280 : i1
          %convert_element_type3A_373 = arith.extui %or3A_372 : i1 to i32
          %cond3A_374 = arith.constant 0 : i32
          %cond3A_375 = arith.cmpi ne, %convert_element_type3A_373, %cond3A_374 : i32
          scf.if %cond3A_375 {
            "tpu.trace_start"() <{level = 10 : i32, message = "ep_wait_in"}> : () -> ()
            %mul3A_489 = arith.constant 1 : i32
            %mul3A_490 = arith.muli %mul3A_489, %add3A_284 : i32
            %rem3A_491 = arith.constant 2 : i32
            %rem3A_492 = arith.remui %while3A_270, %rem3A_491 : i32
            %dma_wait3A = arith.constant 0 : i32
            %dma_wait3A_493 = arith.constant 0 : i32
            %dma_wait3A_494 = tpu.memref_slice %run_scoped3A[%rem3A_492, %dma_wait3A, %dma_wait3A_493] : memref<2x1x16384xi32, #tpu.memory_space<vmem>> -> memref<1x1x16384xi32, #tpu.memory_space<vmem>>
            %dma_wait3A_495 = tpu.memref_squeeze %dma_wait3A_494 : memref<1x1x16384xi32, #tpu.memory_space<vmem>> -> memref<1x16384xi32, #tpu.memory_space<vmem>>
            %dma_wait3A_496 = arith.constant 0 : i32
            %dma_wait3A_497 = tpu.memref_slice %arg2[%mul3A_490, %dma_wait3A_496] : memref<200x16384xi32, #tpu.memory_space<hbm>> -> memref<1x16384xi32, #tpu.memory_space<hbm>>
            %dma_wait3A_498 = tpu.memref_slice %run_scoped3A_89[%rem3A_492] : memref<2x!tpu.dma_semaphore, #tpu.memory_space<semaphore_mem>> -> memref<1x!tpu.dma_semaphore, #tpu.memory_space<semaphore_mem>>
            %dma_wait3A_499 = tpu.memref_squeeze %dma_wait3A_498 : memref<1x!tpu.dma_semaphore, #tpu.memory_space<semaphore_mem>> -> memref<!tpu.dma_semaphore, #tpu.memory_space<semaphore_mem>>
            %dma_wait3A_500 = arith.constant 0 : i32
            %dma_wait3A_501 = arith.constant 0 : i32
            %dma_wait3A_502 = tpu.memref_slice %run_scoped3A[%rem3A_492, %dma_wait3A_500, %dma_wait3A_501] : memref<2x1x16384xi32, #tpu.memory_space<vmem>> -> memref<1x1x16384xi32, #tpu.memory_space<vmem>>
            %dma_wait3A_503 = tpu.memref_squeeze %dma_wait3A_502 : memref<1x1x16384xi32, #tpu.memory_space<vmem>> -> memref<1x16384xi32, #tpu.memory_space<vmem>>
            %dma_wait3A_504 = arith.constant 0 : i32
            %dma_wait3A_505 = tpu.memref_slice %arg2[%mul3A_490, %dma_wait3A_504] : memref<200x16384xi32, #tpu.memory_space<hbm>> -> memref<1x16384xi32, #tpu.memory_space<hbm>>
            tpu.wait_dma2 semaphore(%dma_wait3A_499 : memref<!tpu.dma_semaphore, #tpu.memory_space<semaphore_mem>>) src(%dma_wait3A_505 : memref<1x16384xi32, #tpu.memory_space<hbm>>) dst(%dma_wait3A_503 : memref<1x16384xi32, #tpu.memory_space<vmem>>)
            "tpu.trace_stop"() : () -> ()
          } else {
          }
          %mul3A_376 = arith.constant 1 : i32
          %mul3A_377 = arith.muli %add3A_284, %mul3A_376 : i32
          %add3A_378 = arith.constant 0 : i32
          %add3A_379 = arith.addi %mul3A_377, %add3A_378 : i32
          %mul3A_380 = arith.constant 1 : i32
          %mul3A_381 = arith.muli %add3A_301, %mul3A_380 : i32
          %add3A_382 = arith.constant 0 : i32
          %add3A_383 = arith.addi %mul3A_381, %add3A_382 : i32
          %ne3A_384 = arith.cmpi ne, %add3A_379, %add3A_383 : i32
          %or3A_385 = arith.constant false
          %or3A_386 = arith.ori %or3A_385, %ne3A_384 : i1
          %or3A_387 = arith.ori %or3A_386, %eq3A_280 : i1
          %convert_element_type3A_388 = arith.extui %or3A_387 : i1 to i32
          %cond3A_389 = arith.constant 0 : i32
          %cond3A_390 = arith.cmpi ne, %convert_element_type3A_388, %cond3A_389 : i32
          scf.if %cond3A_390 {
          } else {
          }
          %rem3A_391 = arith.constant 2 : i32
          %rem3A_392 = arith.remui %while3A_270, %rem3A_391 : i32
          %rem3A_393 = arith.constant 2 : i32
          %rem3A_394 = arith.remui %while3A_271, %rem3A_393 : i32
          %mul3A_395 = arith.constant 16384 : i32
          %mul3A_396 = arith.muli %rem3A_394, %mul3A_395 : i32
          %parallel_loop3A = arith.constant 0 : i32
          %parallel_loop3A_397 = arith.constant 16384 : i32
          %parallel_loop3A_398 = arith.constant 16 : i32
          "tpu.trace_start"() <{level = 10 : i32, message = "ep_run_kernel"}> : () -> ()
          scf.for %parallel_loop3A_489 = %parallel_loop3A to %parallel_loop3A_397 step %parallel_loop3A_398  : i32 {
            %parallel_loop3A_490 = arith.constant 0 : i32
            %parallel_loop3A_491 = arith.constant 0 : i32
            %parallel_loop3A_492 = arith.constant 0 : i32
            %parallel_loop3A_493 = tpu.memref_slice %run_scoped3A[%rem3A_392, %parallel_loop3A_491, %parallel_loop3A_492] : memref<2x1x16384xi32, #tpu.memory_space<vmem>> -> memref<1x1x16384xi32, #tpu.memory_space<vmem>>
            %parallel_loop3A_494 = tpu.memref_squeeze %parallel_loop3A_493 : memref<1x1x16384xi32, #tpu.memory_space<vmem>> -> memref<1x16384xi32, #tpu.memory_space<vmem>>
            %parallel_loop3A_495 = arith.index_cast %parallel_loop3A_490 : i32 to index
            %parallel_loop3A_496 = arith.index_cast %parallel_loop3A_489 : i32 to index
            %parallel_loop3A_497 = tpu.vector_load %parallel_loop3A_494[%parallel_loop3A_495, %parallel_loop3A_496] {strides = array<i32>} : memref<1x16384xi32, #tpu.memory_space<vmem>>, vector<1x16xi32>,
            %parallel_loop3A_498 = vector.shape_cast %parallel_loop3A_497 : vector<1x16xi32> to vector<16xi32>
            %parallel_loop3A_499 = vector.shape_cast %parallel_loop3A_498 : vector<16xi32> to vector<16x1xi32>
            %parallel_loop3A_500 = vector.shape_cast %parallel_loop3A_499 : vector<16x1xi32> to vector<16xi32>
            %parallel_loop3A_501 = tpu.dynamic_gather %add3A_67[%parallel_loop3A_500] in [0] : vector<16xf32>, vector<16xi32> -> vector<16xf32>
            %parallel_loop3A_502 = tpu.memref_slice %run_scoped3A_90[%mul3A_396] : memref<32768xf32, #tpu.memory_space<vmem>> -> memref<16384xf32, #tpu.memory_space<vmem>>
            %parallel_loop3A_503 = arith.index_cast %parallel_loop3A_489 : i32 to index
            %parallel_loop3A_504 = tpu.vector_load %parallel_loop3A_502[%parallel_loop3A_503] {strides = array<i32>} : memref<16384xf32, #tpu.memory_space<vmem>>, vector<16xf32>,
            %parallel_loop3A_505 = vector.shape_cast %parallel_loop3A_504 : vector<16xf32> to vector<16xf32>
            %parallel_loop3A_506 = vector.shape_cast %parallel_loop3A_501 : vector<16xf32> to vector<16xf32>
            tpu.vector_store %parallel_loop3A_502[%parallel_loop3A_503], %parallel_loop3A_506 {strides = array<i32>} : memref<16384xf32, #tpu.memory_space<vmem>>, vector<16xf32>,
          } {sc.loop_unroll_factor = 16 : i64, sc.parallel_access}
          "tpu.trace_stop"() : () -> ()
          %ne3A_399 = arith.cmpi ne, %add3A_284, %add3A_316 : i32
          %or3A_400 = arith.constant false
          %or3A_401 = arith.ori %or3A_400, %ne3A_399 : i1
          %or3A_402 = arith.constant false
          %or3A_403 = arith.ori %or3A_401, %or3A_402 : i1
          %or3A_404 = arith.ori %or3A_403, %eq3A_283 : i1
          %convert_element_type3A_405 = arith.extui %or3A_404 : i1 to i32
          %cond3A_406 = arith.constant 0 : i32
          %cond3A_407 = arith.cmpi ne, %convert_element_type3A_405, %cond3A_406 : i32
          scf.if %cond3A_407 {
          } else {
          }
          %and3A_408 = arith.constant false
          %and3A_409 = arith.andi %or3A_404, %and3A_408 : i1
          %mul3A_410 = arith.constant 1 : i32
          %mul3A_411 = arith.muli %add3A_284, %mul3A_410 : i32
          %add3A_412 = arith.constant 0 : i32
          %add3A_413 = arith.addi %mul3A_411, %add3A_412 : i32
          %mul3A_414 = arith.constant 1 : i32
          %mul3A_415 = arith.muli %add3A_316, %mul3A_414 : i32
          %add3A_416 = arith.constant 0 : i32
          %add3A_417 = arith.addi %mul3A_415, %add3A_416 : i32
          %ne3A_418 = arith.cmpi ne, %add3A_413, %add3A_417 : i32
          %or3A_419 = arith.constant false
          %or3A_420 = arith.ori %or3A_419, %ne3A_418 : i1
          %or3A_421 = arith.ori %or3A_420, %eq3A_283 : i1
          %convert_element_type3A_422 = arith.extui %or3A_421 : i1 to i32
          %cond3A_423 = arith.constant 0 : i32
          %cond3A_424 = arith.cmpi ne, %convert_element_type3A_422, %cond3A_423 : i32
          scf.if %cond3A_424 {
            "tpu.trace_start"() <{level = 10 : i32, message = "ep_copy_out"}> : () -> ()
            %rem3A_489 = arith.constant 2 : i32
            %rem3A_490 = arith.remui %while3A_271, %rem3A_489 : i32
            %mul3A_491 = arith.constant 1 : i32
            %mul3A_492 = arith.muli %add3A_284, %mul3A_491 : i32
            %add3A_493 = arith.constant 0 : i32
            %add3A_494 = arith.addi %mul3A_492, %add3A_493 : i32
            %mul3A_495 = arith.constant 16384 : i32
            %mul3A_496 = arith.muli %mul3A_495, %add3A_494 : i32
            %mul3A_497 = arith.constant 16384 : i32
            %mul3A_498 = arith.muli %rem3A_490, %mul3A_497 : i32
            %add3A_499 = arith.constant 0 : i32
            %add3A_500 = arith.addi %mul3A_498, %add3A_499 : i32
            %dma_start3A_501 = tpu.memref_slice %run_scoped3A_90[%add3A_500] : memref<32768xf32, #tpu.memory_space<vmem>> -> memref<16384xf32, #tpu.memory_space<vmem>>
            %dma_start3A_502 = tpu.memref_slice %arg5[%mul3A_496] : memref<3276800xf32, #tpu.memory_space<hbm>> -> memref<16384xf32, #tpu.memory_space<hbm>>
            %dma_start3A_503 = tpu.memref_slice %run_scoped3A_91[%rem3A_490] : memref<2x!tpu.dma_semaphore, #tpu.memory_space<semaphore_mem>> -> memref<1x!tpu.dma_semaphore, #tpu.memory_space<semaphore_mem>>
            %dma_start3A_504 = tpu.memref_squeeze %dma_start3A_503 : memref<1x!tpu.dma_semaphore, #tpu.memory_space<semaphore_mem>> -> memref<!tpu.dma_semaphore, #tpu.memory_space<semaphore_mem>>
            %dma_start3A_505 = tpu.memref_slice %arg5[%mul3A_496] : memref<3276800xf32, #tpu.memory_space<hbm>> -> memref<16384xf32, #tpu.memory_space<hbm>>
            %dma_start3A_506 = tpu.memref_slice %run_scoped3A_90[%add3A_500] : memref<32768xf32, #tpu.memory_space<vmem>> -> memref<16384xf32, #tpu.memory_space<vmem>>
            tpu.enqueue_dma source(%dma_start3A_506 : memref<16384xf32, #tpu.memory_space<vmem>>) target(%dma_start3A_505 : memref<16384xf32, #tpu.memory_space<hbm>>) target_semaphore(%dma_start3A_504 : memref<!tpu.dma_semaphore, #tpu.memory_space<semaphore_mem>>)
            "tpu.trace_stop"() : () -> ()
          } else {
          }
          %and3A_425 = arith.constant true
          %and3A_426 = arith.andi %or3A_421, %and3A_425 : i1
          %add3A_427 = arith.constant 1 : i32
          %add3A_428 = arith.addi %while3A_271, %add3A_427 : i32
          %select_n3A_429 = arith.select %and3A_426, %add3A_428, %while3A_271 : i32
          %ne3A_430 = arith.cmpi ne, %add3A_284, %add3A_301 : i32
          %or3A_431 = arith.constant false
          %or3A_432 = arith.ori %or3A_431, %ne3A_430 : i1
          %or3A_433 = arith.constant false
          %or3A_434 = arith.ori %or3A_432, %or3A_433 : i1
          %not3A_435 = arith.constant true
          %not3A_436 = arith.xori %eq3A_280, %not3A_435 : i1
          %and3A_437 = arith.andi %or3A_434, %not3A_436 : i1
          %convert_element_type3A_438 = arith.extui %and3A_437 : i1 to i32
          %cond3A_439 = arith.constant 0 : i32
          %cond3A_440 = arith.cmpi ne, %convert_element_type3A_438, %cond3A_439 : i32
          scf.if %cond3A_440 {
          } else {
          }
          %and3A_441 = arith.constant false
          %and3A_442 = arith.andi %and3A_437, %and3A_441 : i1
          %mul3A_443 = arith.constant 1 : i32
          %mul3A_444 = arith.muli %add3A_284, %mul3A_443 : i32
          %add3A_445 = arith.constant 0 : i32
          %add3A_446 = arith.addi %mul3A_444, %add3A_445 : i32
          %mul3A_447 = arith.constant 1 : i32
          %mul3A_448 = arith.muli %add3A_301, %mul3A_447 : i32
          %add3A_449 = arith.constant 0 : i32
          %add3A_450 = arith.addi %mul3A_448, %add3A_449 : i32
          %ne3A_451 = arith.cmpi ne, %add3A_446, %add3A_450 : i32
          %or3A_452 = arith.constant false
          %or3A_453 = arith.ori %or3A_452, %ne3A_451 : i1
          %not3A_454 = arith.constant true
          %not3A_455 = arith.xori %eq3A_280, %not3A_454 : i1
          %and3A_456 = arith.andi %or3A_453, %not3A_455 : i1
          %convert_element_type3A_457 = arith.extui %and3A_456 : i1 to i32
          %cond3A_458 = arith.constant 0 : i32
          %cond3A_459 = arith.cmpi ne, %convert_element_type3A_457, %cond3A_458 : i32
          scf.if %cond3A_459 {
            "tpu.trace_start"() <{level = 10 : i32, message = "ep_wait_out"}> : () -> ()
            %rem3A_489 = arith.constant 2 : i32
            %rem3A_490 = arith.remui %while3A_272, %rem3A_489 : i32
            %mul3A_491 = arith.constant 1 : i32
            %mul3A_492 = arith.muli %add3A_301, %mul3A_491 : i32
            %add3A_493 = arith.constant 0 : i32
            %add3A_494 = arith.addi %mul3A_492, %add3A_493 : i32
            %mul3A_495 = arith.constant 16384 : i32
            %mul3A_496 = arith.muli %mul3A_495, %add3A_494 : i32
            %mul3A_497 = arith.constant 16384 : i32
            %mul3A_498 = arith.muli %rem3A_490, %mul3A_497 : i32
            %add3A_499 = arith.constant 0 : i32
            %add3A_500 = arith.addi %mul3A_498, %add3A_499 : i32
            %dma_wait3A = tpu.memref_slice %run_scoped3A_90[%add3A_500] : memref<32768xf32, #tpu.memory_space<vmem>> -> memref<16384xf32, #tpu.memory_space<vmem>>
            %dma_wait3A_501 = tpu.memref_slice %arg5[%mul3A_496] : memref<3276800xf32, #tpu.memory_space<hbm>> -> memref<16384xf32, #tpu.memory_space<hbm>>
            %dma_wait3A_502 = tpu.memref_slice %run_scoped3A_91[%rem3A_490] : memref<2x!tpu.dma_semaphore, #tpu.memory_space<semaphore_mem>> -> memref<1x!tpu.dma_semaphore, #tpu.memory_space<semaphore_mem>>
            %dma_wait3A_503 = tpu.memref_squeeze %dma_wait3A_502 : memref<1x!tpu.dma_semaphore, #tpu.memory_space<semaphore_mem>> -> memref<!tpu.dma_semaphore, #tpu.memory_space<semaphore_mem>>
            %dma_wait3A_504 = tpu.memref_slice %arg5[%mul3A_496] : memref<3276800xf32, #tpu.memory_space<hbm>> -> memref<16384xf32, #tpu.memory_space<hbm>>
            %dma_wait3A_505 = tpu.memref_slice %run_scoped3A_90[%add3A_500] : memref<32768xf32, #tpu.memory_space<vmem>> -> memref<16384xf32, #tpu.memory_space<vmem>>
            tpu.wait_dma2 semaphore(%dma_wait3A_503 : memref<!tpu.dma_semaphore, #tpu.memory_space<semaphore_mem>>) src(%dma_wait3A_505 : memref<16384xf32, #tpu.memory_space<vmem>>) dst(%dma_wait3A_504 : memref<16384xf32, #tpu.memory_space<hbm>>)
            "tpu.trace_stop"() : () -> ()
          } else {
          }
          %and3A_460 = arith.constant true
          %and3A_461 = arith.andi %and3A_456, %and3A_460 : i1
          %add3A_462 = arith.constant 1 : i32
          %add3A_463 = arith.addi %while3A_272, %add3A_462 : i32
          %select_n3A_464 = arith.select %and3A_461, %add3A_463, %while3A_272 : i32
          %ne3A_465 = arith.cmpi ne, %add3A_284, %add3A_316 : i32
          %or3A_466 = arith.constant false
          %or3A_467 = arith.ori %or3A_466, %ne3A_465 : i1
          %or3A_468 = arith.constant false
          %or3A_469 = arith.ori %or3A_467, %or3A_468 : i1
          %or3A_470 = arith.ori %or3A_469, %eq3A_283 : i1
          %add3A_471 = arith.constant 1 : i32
          %add3A_472 = arith.addi %while3A_270, %add3A_471 : i32
          %select_n3A_473 = arith.select %or3A_470, %add3A_472, %while3A_270 : i32
          %select_n3A_474 = arith.constant true
          %select_n3A_475 = arith.constant 0 : i32
          %select_n3A_476 = arith.constant 1 : i32
          %select_n3A_477 = arith.select %select_n3A_474, %select_n3A_476, %select_n3A_475 : i32
          %eq3A_478 = arith.constant 1 : i32
          %eq3A_479 = arith.cmpi eq, %select_n3A_477, %eq3A_478 : i32
          %select_n3A_480 = arith.constant 0 : i32
          %select_n3A_481 = arith.select %eq3A_479, %select_n3A_480, %select_n3A_477 : i32
          %add3A_482 = arith.constant 1 : i32
          %add3A_483 = arith.addi %while3A_273, %add3A_482 : i32
          %select_n3A_484 = arith.select %eq3A_479, %add3A_483, %while3A_273 : i32
          %eq3A_485 = arith.cmpi eq, %select_n3A_484, %select_n3A : i32
          %select_n3A_486 = arith.constant 0 : i32
          %select_n3A_487 = arith.select %eq3A_485, %select_n3A_486, %select_n3A_484 : i32
          %while3A_488 = arith.constant 0 : i32
          scf.yield %select_n3A_347, %select_n3A_473, %select_n3A_429, %select_n3A_464, %select_n3A_487, %while3A_488 : i32, i32, i32, i32, i32, i32
        }
        %sub3A_187 = arith.constant 1 : i32
        %sub3A_188 = arith.subi %while3A_186#5, %sub3A_187 : i32
        %select_n3A_189 = arith.constant true
        %select_n3A_190 = arith.select %select_n3A_189, %sub3A_188, %while3A_186#5 : i32
        %eq3A_191 = arith.constant -1 : i32
        %eq3A_192 = arith.cmpi eq, %select_n3A_190, %eq3A_191 : i32
        %select_n3A_193 = arith.constant 0 : i32
        %select_n3A_194 = arith.select %eq3A_192, %select_n3A_193, %select_n3A_190 : i32
        %sub3A_195 = arith.constant 1 : i32
        %sub3A_196 = arith.subi %while3A_186#4, %sub3A_195 : i32
        %select_n3A_197 = arith.select %eq3A_192, %sub3A_196, %while3A_186#4 : i32
        %eq3A_198 = arith.constant -1 : i32
        %eq3A_199 = arith.cmpi eq, %select_n3A_197, %eq3A_198 : i32
        %sub3A_200 = arith.constant 1 : i32
        %sub3A_201 = arith.subi %select_n3A, %sub3A_200 : i32
        %select_n3A_202 = arith.select %eq3A_199, %sub3A_201, %select_n3A_197 : i32
        %sub3A_203 = arith.constant 1 : i32
        %sub3A_204 = arith.subi %mul3A_88, %sub3A_203 : i32
        %mul3A_205 = arith.constant 1 : i32
        %mul3A_206 = arith.muli %mul3A_205, %select_n3A : i32
        %mul3A_207 = arith.constant 1 : i32
        %mul3A_208 = arith.muli %mul3A_206, %mul3A_207 : i32
        %eq3A_209 = arith.constant 0 : i32
        %eq3A_210 = arith.cmpi eq, %sub3A_204, %eq3A_209 : i32
        %sub3A_211 = arith.constant 1 : i32
        %sub3A_212 = arith.subi %mul3A_208, %sub3A_211 : i32
        %eq3A_213 = arith.cmpi eq, %sub3A_204, %sub3A_212 : i32
        %add3A_214 = arith.addi %select_n3A_202, %select_n3A_84 : i32
        %select_n3A_215 = arith.constant true
        %select_n3A_216 = arith.constant 0 : i32
        %select_n3A_217 = arith.constant -1 : i32
        %select_n3A_218 = arith.select %select_n3A_215, %select_n3A_217, %select_n3A_216 : i32
        %eq3A_219 = arith.constant -1 : i32
        %eq3A_220 = arith.cmpi eq, %select_n3A_218, %eq3A_219 : i32
        %select_n3A_221 = arith.constant 0 : i32
        %select_n3A_222 = arith.select %eq3A_220, %select_n3A_221, %select_n3A_218 : i32
        %sub3A_223 = arith.constant 1 : i32
        %sub3A_224 = arith.subi %select_n3A_202, %sub3A_223 : i32
        %select_n3A_225 = arith.select %eq3A_220, %sub3A_224, %select_n3A_202 : i32
        %eq3A_226 = arith.constant -1 : i32
        %eq3A_227 = arith.cmpi eq, %select_n3A_225, %eq3A_226 : i32
        %sub3A_228 = arith.constant 1 : i32
        %sub3A_229 = arith.subi %select_n3A, %sub3A_228 : i32
        %select_n3A_230 = arith.select %eq3A_227, %sub3A_229, %select_n3A_225 : i32
        %add3A_231 = arith.addi %select_n3A_230, %select_n3A_84 : i32
        %select_n3A_232 = arith.constant true
        %select_n3A_233 = arith.constant 0 : i32
        %select_n3A_234 = arith.constant 1 : i32
        %select_n3A_235 = arith.select %select_n3A_232, %select_n3A_234, %select_n3A_233 : i32
        %eq3A_236 = arith.constant 1 : i32
        %eq3A_237 = arith.cmpi eq, %select_n3A_235, %eq3A_236 : i32
        %select_n3A_238 = arith.constant 0 : i32
        %select_n3A_239 = arith.select %eq3A_237, %select_n3A_238, %select_n3A_235 : i32
        %add3A_240 = arith.constant 1 : i32
        %add3A_241 = arith.addi %select_n3A_202, %add3A_240 : i32
        %select_n3A_242 = arith.select %eq3A_237, %add3A_241, %select_n3A_202 : i32
        %eq3A_243 = arith.cmpi eq, %select_n3A_242, %select_n3A : i32
        %select_n3A_244 = arith.constant 0 : i32
        %select_n3A_245 = arith.select %eq3A_243, %select_n3A_244, %select_n3A_242 : i32
        %add3A_246 = arith.addi %select_n3A_245, %select_n3A_84 : i32
        %select_n3A_247 = arith.constant true
        %select_n3A_248 = arith.constant 0 : i32
        %select_n3A_249 = arith.constant 1 : i32
        %select_n3A_250 = arith.select %select_n3A_247, %select_n3A_249, %select_n3A_248 : i32
        %eq3A_251 = arith.constant 1 : i32
        %eq3A_252 = arith.cmpi eq, %select_n3A_250, %eq3A_251 : i32
        %select_n3A_253 = arith.constant 0 : i32
        %select_n3A_254 = arith.select %eq3A_252, %select_n3A_253, %select_n3A_250 : i32
        %add3A_255 = arith.constant 1 : i32
        %add3A_256 = arith.addi %select_n3A_245, %add3A_255 : i32
        %select_n3A_257 = arith.select %eq3A_252, %add3A_256, %select_n3A_245 : i32
        %eq3A_258 = arith.cmpi eq, %select_n3A_257, %select_n3A : i32
        %select_n3A_259 = arith.constant 0 : i32
        %select_n3A_260 = arith.select %eq3A_258, %select_n3A_259, %select_n3A_257 : i32
        %add3A_261 = arith.addi %select_n3A_260, %select_n3A_84 : i32
        %convert_element_type3A_262 = arith.extui %eq3A_213 : i1 to i32
        %cond3A_263 = arith.constant 0 : i32
        %cond3A_264 = arith.cmpi ne, %convert_element_type3A_262, %cond3A_263 : i32
        scf.if %cond3A_264 {
        } else {
        }
        %convert_element_type3A_265 = arith.extui %eq3A_213 : i1 to i32
        %cond3A_266 = arith.constant 0 : i32
        %cond3A_267 = arith.cmpi ne, %convert_element_type3A_265, %cond3A_266 : i32
        scf.if %cond3A_267 {
          "tpu.trace_start"() <{level = 10 : i32, message = "ep_finalize"}> : () -> ()
          %rem3A_268 = arith.constant 2 : i32
          %rem3A_269 = arith.remui %while3A_186#3, %rem3A_268 : i32
          %mul3A_270 = arith.constant 1 : i32
          %mul3A_271 = arith.muli %add3A_214, %mul3A_270 : i32
          %add3A_272 = arith.constant 0 : i32
          %add3A_273 = arith.addi %mul3A_271, %add3A_272 : i32
          %mul3A_274 = arith.constant 16384 : i32
          %mul3A_275 = arith.muli %mul3A_274, %add3A_273 : i32
          %mul3A_276 = arith.constant 16384 : i32
          %mul3A_277 = arith.muli %rem3A_269, %mul3A_276 : i32
          %add3A_278 = arith.constant 0 : i32
          %add3A_279 = arith.addi %mul3A_277, %add3A_278 : i32
          %dma_wait3A = tpu.memref_slice %run_scoped3A_90[%add3A_279] : memref<32768xf32, #tpu.memory_space<vmem>> -> memref<16384xf32, #tpu.memory_space<vmem>>
          %dma_wait3A_280 = tpu.memref_slice %arg5[%mul3A_275] : memref<3276800xf32, #tpu.memory_space<hbm>> -> memref<16384xf32, #tpu.memory_space<hbm>>
          %dma_wait3A_281 = tpu.memref_slice %run_scoped3A_91[%rem3A_269] : memref<2x!tpu.dma_semaphore, #tpu.memory_space<semaphore_mem>> -> memref<1x!tpu.dma_semaphore, #tpu.memory_space<semaphore_mem>>
          %dma_wait3A_282 = tpu.memref_squeeze %dma_wait3A_281 : memref<1x!tpu.dma_semaphore, #tpu.memory_space<semaphore_mem>> -> memref<!tpu.dma_semaphore, #tpu.memory_space<semaphore_mem>>
          %dma_wait3A_283 = tpu.memref_slice %arg5[%mul3A_275] : memref<3276800xf32, #tpu.memory_space<hbm>> -> memref<16384xf32, #tpu.memory_space<hbm>>
          %dma_wait3A_284 = tpu.memref_slice %run_scoped3A_90[%add3A_279] : memref<32768xf32, #tpu.memory_space<vmem>> -> memref<16384xf32, #tpu.memory_space<vmem>>
          tpu.wait_dma2 semaphore(%dma_wait3A_282 : memref<!tpu.dma_semaphore, #tpu.memory_space<semaphore_mem>>) src(%dma_wait3A_284 : memref<16384xf32, #tpu.memory_space<vmem>>) dst(%dma_wait3A_283 : memref<16384xf32, #tpu.memory_space<hbm>>)
          "tpu.trace_stop"() : () -> ()
        } else {
        }
      } else {
      }
      tpu.yield
    }) : () -> ()
    return
  }
}

</mosaic_0001>

<sc_bundles>
// kernel: kernel.3.cloned.1.call-start
scs
__scs_entry_jumppad:
0x0: {  	(pc) =	sbr.rel $0x88, $3  }
0x1: {  	(tag) =	ssettag $0x0;
	lr =	simm.s32 $0x1  }
0x2: {  	[smem:$0x3F9D] =	sst lr;
	_ =	strace $0xD0000000  }
0x3: {  	_ = 	snop  }
0x4: {  	_ = 	snop  }
0x5: {  	_ = 	snop  }
0x6: {  	_ = 	snop  }
0x7: {  	_ = 	snop  }
__scs_overlays_trampoline_lowered:
0x8: {  	[smem:$0x3FAC] =	sst s0  }
0x9: {  	[smem:$0x3FAD] =	sst s1  }
0xa: {  	[smem:$0x3FAE] =	sst s2  }
0xb: {  	[smem:$0x3FAF] =	sst s3  }
0xc: {  	[smem:$0x3FB0] =	sst s4  }
0xd: {  	[smem:$0x3FB1] =	sst s5  }
0xe: {  	[smem:$0x3FB2] =	sst s6  }
0xf: {  	[smem:$0x3FB3] =	sst s7  }
0x10: {  	[smem:$0x3FB4] =	sst s8  }
0x11: {  	[smem:$0x3FB5] =	sst s9;
	s0 =	simm.s32 @!p0 $0x0  }
0x12: {  	s1 =	sld [smem:$0x3F9B];
	s0 =	simm.s32 @p0 $0x1  }
0x13: {  	[smem:$0x3FB6] =	sst s0;
	s0 =	simm.s32 @!p1 $0x0  }
0x14: {  	s2 =	sld [smem:$0x3F9A];
	s0 =	simm.s32 @p1 $0x1  }
0x15: {  	[smem:$0x3FB7] =	sst s0;
	s0 =	simm.s32 @!p2 $0x0  }
0x16: {  	s3 =	sld [smem:$0x3FDB];
	s0 =	simm.s32 @p2 $0x1  }
0x17: {  	s4 =	simm.s32 $0x1BF5;
	[smem:$0x3FB9] =	sst s0  }
0x18: {  	s0 =	sld [smem:$0x3F9C];
	_ =	swait.ge [sflag:s4], $0x0  }
0x19: {  	s7 =	sld [smem:$0x3F9D]  }
0x1a: {  	s8 =	sadd.s32 $0xFFFFE003, lr  }
0x1b: {  	s9 =	sadd.s32 $0xFFFFFEF7, lr;
	s5 =	simm.s32 $0xFFFFFFFF;
	p2 =	slt.u32 s8, $0xFFFFF086  }
0x1c: {  	p1 =	slt.u32 s9, $0xF7A;
	s5 =	simm.s32 @!p2 $0x0  }
0x1d: {  	s5 =	simm.s32 @p1 $0x1;
	p0 =	seq.s32 s7, s2  }
0x1e: {  	s7 =	smul.u32 @!p0 $0xF7A, s2;
	p2 =	seq.s32 @!p0 s5, $0x0  }
0x1f: {  	s9 =	smul.u32 $0xF7A, s1;
	s8 =	simm.s32 @!p0 $0x1BF5;
	p2 =	por !p2, p0  }
0x20: {  	[sflag:s8] =	ssyncset.s32 @!p0 $0xFFFFF086;
	s6 =	sadd.s32 @!p0 s3, s7;
	s7 =	simm.s32 @!p0 $0x108  }
0x21: {  	s3 =	sadd.s32 s3, s9;
	s6 =	sadd.s32 @!p0 $0x88, s6;
	s7 =	simm.s32 @p2 $0x1082  }
0x22: {  	[simem:s7], [sflag:s8] =	dma.local @!p0 [hbm:s6], $0xF7A  }
0x23: {  	s9 =	sor.u32 $0xD0000000, s2;
	s6 =	simm.s32 $0x108;
	_ =	swait.ge @!p0 [sflag:s8], $0x0  }
0x24: {  	s3 =	sadd.s32 $0x88, s3;
	s6 =	simm.s32 @!p1 $0x1082;
	[sflag:s4] =	ssyncset.s32 $0xFFFFF086  }
0x25: {  	[simem:s6], [sflag:s4] =	dma.local [hbm:s3], $0xF7A  }
0x26: {  	[smem:$0x3F9D] =	sst s1;
	(tag) =	ssettag s2;
	_ =	strace s9  }
0x27: {  	s1 =	sld [smem:$0x3FAD]  }
0x28: {  	s2 =	sld [smem:$0x3FAE]  }
0x29: {  	s4 =	sld [smem:$0x3FB0]  }
0x2a: {  	p0 =	seq.s32 s5, $0x0;
	s5 =	sld [smem:$0x3FB1]  }
0x2b: {  	s6 =	sld [smem:$0x3FB2]  }
0x2c: {  	s7 =	sld [smem:$0x3FB3]  }
0x2d: {  	s3 =	simm.s32 $0x108;
	s8 =	sld [smem:$0x3FB4]  }
0x2e: {  	s3 =	simm.s32 @!p0 $0x1082;
	s9 =	sld [smem:$0x3FB5]  }
0x2f: {  	lr =	sadd.s32 s0, s3;
	s0 =	sld [smem:$0x3FAC]  }
0x30: {  	s3 =	sld [smem:$0x3FAF]  }
0x31: {  	[smem:$0x3FB8] =	sst s10  }
0x32: {  	s10 =	sld [smem:$0x3FB6];
	_ =	sdelay $0x3  }
0x33: {  	p0 =	seq.s32 s10, $0x1;
	s10 =	sld [smem:$0x3FB8];
	_ =	sdelay $0x3  }
0x34: {  	[smem:$0x3FB8] =	sst s10  }
0x35: {  	s10 =	sld [smem:$0x3FB7];
	_ =	sdelay $0x3  }
0x36: {  	p1 =	seq.s32 s10, $0x1;
	s10 =	sld [smem:$0x3FB8];
	_ =	sdelay $0x3  }
0x37: {  	[smem:$0x3FB8] =	sst s10  }
0x38: {  	s10 =	sld [smem:$0x3FB9]  }
0x39: {  	_ = 	snop;
	(pc) =	sbr.ind lr, $3  }
0x3a: {  	_ = 	snop  }
0x3b: {  	_ = 	snop  }
0x3c: {  	p2 =	seq.s32 s10, $0x1;
	s10 =	sld [smem:$0x3FB8]  }
0x3d: {  	_ =	shalt  }
0x3e: {  	_ =	shalt  }
0x3f: {  	_ =	shalt  }
0x40: {  	_ =	shalt  }
0x41: {  	_ =	shalt  }
0x42: {  	_ =	shalt  }
0x43: {  	_ =	shalt  }
0x44: {  	_ =	shalt  }
0x45: {  	_ =	shalt  }
0x46: {  	_ =	shalt  }
0x47: {  	_ =	shalt  }
0x48: {  	_ =	shalt  }
0x49: {  	_ =	shalt  }
0x4a: {  	_ =	shalt  }
0x4b: {  	_ =	shalt  }
0x4c: {  	_ =	shalt  }
0x4d: {  	_ =	shalt  }
0x4e: {  	_ =	shalt  }
0x4f: {  	_ =	shalt  }
0x50: {  	_ =	shalt  }
0x51: {  	_ =	shalt  }
0x52: {  	_ =	shalt  }
0x53: {  	_ =	shalt  }
0x54: {  	_ =	shalt  }
0x55: {  	_ =	shalt  }
0x56: {  	_ =	shalt  }
0x57: {  	_ =	shalt  }
0x58: {  	_ =	shalt  }
0x59: {  	_ =	shalt  }
0x5a: {  	_ =	shalt  }
0x5b: {  	_ =	shalt  }
0x5c: {  	_ =	shalt  }
0x5d: {  	_ =	shalt  }
0x5e: {  	_ =	shalt  }
0x5f: {  	_ =	shalt  }
0x60: {  	_ =	shalt  }
0x61: {  	_ =	shalt  }
0x62: {  	_ =	shalt  }
0x63: {  	_ =	shalt  }
0x64: {  	_ =	shalt  }
0x65: {  	_ =	shalt  }
0x66: {  	_ =	shalt  }
0x67: {  	_ =	shalt  }
0x68: {  	_ =	shalt  }
0x69: {  	_ =	shalt  }
0x6a: {  	_ =	shalt  }
0x6b: {  	_ =	shalt  }
0x6c: {  	_ =	shalt  }
0x6d: {  	_ =	shalt  }
0x6e: {  	_ =	shalt  }
0x6f: {  	_ =	shalt  }
0x70: {  	_ =	shalt  }
0x71: {  	_ =	shalt  }
0x72: {  	_ =	shalt  }
0x73: {  	_ =	shalt  }
0x74: {  	_ =	shalt  }
0x75: {  	_ =	shalt  }
0x76: {  	_ =	shalt  }
0x77: {  	_ =	shalt  }
0x78: {  	_ =	shalt  }
0x79: {  	_ =	shalt  }
0x7a: {  	_ =	shalt  }
0x7b: {  	_ =	shalt  }
0x7c: {  	_ =	shalt  }
0x7d: {  	_ =	shalt  }
0x7e: {  	_ =	shalt  }
0x7f: {  	_ =	shalt  }
0x80: {  	_ =	shalt  }
0x81: {  	_ =	shalt  }
0x82: {  	_ =	shalt  }
0x83: {  	_ =	shalt  }
0x84: {  	_ =	shalt  }
0x85: {  	_ =	shalt  }
0x86: {  	_ =	shalt  }
0x87: {  	_ =	shalt  }
.Lfunc_end0:
.L_simem_size_0:
called_computation_lowered:
.L_overlay_start_0:
0x88: {  	s2 =	sld [smem:$0x3FD9]  }
0x89: {  	s3 =	sld [smem:$0x3FFE];
	_ =	sdelay $0x1  }
0x8a: {  	s1 =	srdreg.scid  }
0x8b: {  	s0 =	sand.u32 $0x1, s1  }
0x8c: {  	s17 =	sshll.u32 s0, $0xA;
	s2 =	sadd.s32 s3, s2  }
0x8d: {  	s2 =	sadd.s32 s2, s17  }
0x8e: {  	[smem:$0x3FC4] =	sst s2  }
0x8f: {  	_ = 	snop  }
0x90: {  	s2 =	sld [smem:$0x3FC9]  }
0x91: {  	s18 =	sld [smem:$0x3FD0];
	(tm) =	ssettm $0x1  }
0x92: {  	s4 =	sld [smem:$0x3FFB];
	_ =	sdelay $0x3  }
0x93: {  	_ =	strace s4  }
0x94: {  	s4 =	sld [smem:$0x3FFC];
	_ =	sdelay $0x3  }
0x95: {  	_ =	strace s4  }
0x96: {  	s4 =	sld [smem:$0x3FFD];
	_ =	sdelay $0x3  }
0x97: {  	_ =	strace s4  }
0x98: {  	_ =	strace $0x8FFFFFFF  }
0x99: {  	s19 =	sld [smem:$0x3FDB];
	_ =	sdelay $0x1  }
0x9a: {  	s5 =	simm.s32 $_scs_section_size  }
0x9b: {  	s6 =	simm.s32 $_size__tile_overlayer_lowered;
	s7 =	simm.s32 $_tile_overlayer_lowered  }
0x9c: {  	s22 =	simm.s32 $0x1BFF;
	s21 =	sshll.u32 s7, $0x1;
	s4 =	sadd.s32 s5, s19  }
0x9d: {  	s8 =	simm.s32 $0x0;
	s20 =	sshll.u32 s6, $0x1;
	s6 =	sadd.s32 s21, s4  }
0x9e: {  	[timem:s8], [sflag:s22] =	dma.local [hbm:s6], s20  }
0x9f: {  	_ =	swait.ge [sflag:s22], s20  }
0xa0: {  	s5 =	ssub.s32 $0x0, s20;
	[sflag:s22] =	ssyncset.done $0x0  }
0xa1: {  	[sflag:s22] =	ssyncadd.s32 s5;
	_ =	sdelay $0x1  }
0xa2: {  	s23 =	simm.s32 $0x1B8B  }
0xa3: {  	_ =	swait.ge [sflag:s23], $0x1  }
0xa4: {  	[sflag:s23] =	ssyncset.done $0x0  }
0xa5: {  	s25 =	simm.s32 $0x1B8E;
	s24 =	sld [smem:$0x3FFE];
	[sflag:s23] =	ssyncadd.s32 $0xFFFFFFFF  }
0xa6: {  	s26 =	simm.s32 $execute0_lowered;
	[smem:$0x3FD2] =	sst s25  }
0xa7: {  	s6 =	sshll.u32 s26, $0x1;
	_ =	strace $0x80000046;
	[dreg:$0x1] =	wrdreg $0xFFFFFFFF  }
0xa8: {  	s28 =	simm.s32 $_size_execute0_lowered;
	s4 =	sadd.s32 s4, s6;
	[dreg:$0x0] =	wrdreg $0x0  }
0xa9: {  	s6 =	sshll.u32 s28, $0x1;
	[dreg:$0x2] =	wrdreg s4  }
0xaa: {  	[dreg:$0x3] =	wrdreg s6  }
0xab: {  	[dreg:$0x4] =	wrdreg $0xC0  }
0xac: {  	_ =	task [dreg:s8], $0x5FFFF  }
0xad: {  	[dreg:$0x1] =	wrdreg $0xFFFFFFFF  }
0xae: {  	[dreg:$0x0] =	wrdreg $0x60  }
0xaf: {  	[dreg:$0x2] =	wrdreg s2  }
0xb0: {  	[dreg:$0x3] =	wrdreg s24  }
0xb1: {  	[dreg:$0x4] =	wrdreg s18  }
0xb2: {  	[dreg:$0x5] =	wrdreg $0x9  }
0xb3: {  	_ =	task.clear_ibuf [dreg:s8], $0x6FFFF;
	_ =	strace $0x90000046  }
0xb4: {  	s29 =	simm.s32 $0x9;
	_ =	strace $0x8000004F  }
0xb5: {  	_ =	swait.ge [sflag:s29], $0x1  }
0xb6: {  	[sflag:s29] =	ssyncadd.s32 $0xFFFFFFFF  }
0xb7: {  	_ =	strace $0x9000004F  }
0xb8: {  	_ =	sfence  }
0xb9: {  	s30 =	sld [smem:$0x0];
	_ =	sdelay $0x2  }
0xba: {  	s31 =	sshll.u32 s1, $0xD;
	s1 =	sshrl.u32 s1, $0x2  }
0xbb: {  	s3 =	sand.u32 $0x4000, s31;
	s1 =	sadd.s32 s1, s30  }
0xbc: {  	s0 =	sor.u32 s3, s0;
	s1 =	sshll.u32 s1, $0x11  }
0xbd: {  	s0 =	sor.u32 s1, s0  }
0xbe: {  	s0 =	sadd.s32 $0x8F2B, s0  }
0xbf: {  	[sflag:s0] =	ssyncadd.remote.s32 $0x1  }
0xc0: {  	_ =	sfence.sel $0xFFFF  }
0xc1: {  	[dreg:$0x0] =	wrdreg $0xFFFFFFFF;
	(pc) =	sbr.abs _section_cstart, $3  }
0xc2: {  	[dreg:$0x1] =	wrdreg $0xFFFFFFFF  }
0xc3: {  	_ =	task.clear_ibuf [dreg:s8], $0x2FFFF;
	_ =	strace $0x9FFFFFFF  }
0xc4: {  	(tm) =	ssettm $0x7FFFFFFF  }
0xc5: {  	_ =	shalt  }
tec
execute0_lowered:
.L_overlay_start_1:
0x0: {  	(tag) =	ssettag $0x1  }
0x1: {  	s0 =	srdreg.scid;
	s1 =	rddreg [dreg:$0x0]  }
0x2: {  	s8 =	rddreg [dreg:$0x1];
	s7 =	sand.u32 $0x1, s0  }
0x3: {  	s3 =	rddreg [dreg:$0x2];
	s0 =	stileid.u32;
	s2 =	sshll.u32 s7, $0x4  }
0x4: {  	s4 =	simm.s32 $0x0;
	s14 =	simm.s32 $0x800;
	s5 =	sor.u32 s0, s2  }
0x5: {  	s15 =	simm.s32 $0x1;
	s16 =	simm.s32 $0x0;
	s6 =	smul.u32 $0x6, s5  }
0x6: {  	[smem:$0x7FF] =	sst s4;
	s10 =	ssub.s32 $0x2, s7;
	s9 =	smul.u32 $0x7, s5  }
0x7: {  	s7 =	sadd.s32 $0x800, s8;
	p0 =	slt.u32 s5, $0x8;
	s5 =	sadd.s32 $0x8, s6  }
0x8: {  	s2 =	rddreg [dreg:$0x3];
	_ =	strace $0x80000047;
	s5 =	smov.u32 @p0 s9  }
0x9: {  	s31 =	sshrl.u32 s10, $0x1;
	s6 =	sadd.s32 $0xA00, s8;
	s11 =	sshll.u32 s5, $0x4  }
0xa: {  	s8 =	simm.s32 $0x7;
	s12 =	sshll.u32 s5, $0xB;
	s11 =	sand.u32 $0x70, s11  }
0xb: {  	s8 =	simm.s32 @!p0 $0x6;
	s12 =	sand.u32 $0xFFFC000, s12;
	s11 =	sadd.s32 s1, s11  }
0xc: {  	s13 =	ssub.s32 s10, s31;
	s10 =	sadd.s32 $0xFFFFFFFF, s8;
	s9 =	sadd.s32 s12, s11  }
0xd: {  	s11 =	smax.u32 s13, $0x1;
	s12 =	simm.s32 $0x400;
	s13 =	simm.s32 $0x80  }
.LBB2_1:
0xe: {  	[tilespmem:s4], [sflag:$0x1] =	stream.linear.gather [hbm4b:s6+s4], $0x400, $0x38;
	[tilespmem:$0x10800] =	vst v63  }
0xf: {  	_ =	swait.ge [sflag:s15], $0x400  }
0x10: {  	[sflag:s15] =	ssyncset.done $0x0  }
0x11: {  	[sflag:s15] =	ssyncadd.s32 $0xFFFFFC00  }
0x12: {  	[tilespmem:s12], [sflag:$0x1] =	stream.linear.gather [hbm4b:s7+s4], $0x400, $0x38;
	[tilespmem:$0x10800] =	vst v63  }
0x13: {  	_ =	swait.ge [sflag:s15], $0x400  }
0x14: {  	[sflag:s15] =	ssyncset.done $0x0  }
0x15: {  	[sflag:s15] =	ssyncadd.s32 $0xFFFFFC00  }
0x16: {  	v0 =	vld [tilespmem:$0x0]  }
0x17: {  	v1 =	vld [tilespmem:$0x400]  }
0x18: {  	v2 =	vld [tilespmem:$0x80]  }
0x19: {  	v3 =	vld [tilespmem:$0x480]  }
0x1a: {  	v4 =	vld [tilespmem:$0x100]  }
0x1b: {  	v5 =	vld [tilespmem:$0x500]  }
0x1c: {  	v6 =	vld [tilespmem:$0x180]  }
0x1d: {  	v7 =	vld [tilespmem:$0x580]  }
0x1e: {  	v0 =	vmul.f32 v1, v0;
	v1 =	vmul.f32 v3, v2;
	v2 =	vld [tilespmem:$0x200]  }
0x1f: {  	v3 =	vld [tilespmem:$0x600]  }
0x20: {  	v62 =	vld [tilespmem:$0x280];
	v0 =	vadd.f32 v1, v0;
	v1 =	vmul.f32 v5, v4  }
0x21: {  	v63 =	vld [tilespmem:$0x680]  }
0x22: {  	v0 =	vadd.f32 v1, v0;
	v1 =	vmul.f32 v7, v6;
	_ =	sdelay $0x1  }
0x23: {  	v0 =	vadd.f32 v1, v0;
	v1 =	vmul.f32 v3, v2;
	_ =	sdelay $0x1  }
0x24: {  	s18 =	simm.s32 $0x0;
	s17 =	simm.s32 $0x0;
	v0 =	vadd.f32 v1, v0;
	v1 =	vmul.f32 v63, v62  }
0x25: {  	s19 =	simm.s32 $0x0;
	s20 =	simm.s32 $0x0;
	_ =	strace $0x80000048  }
0x26: {  	[tilespmem:s14], [sflag:$0x2] =	stream.strided.gather [hbm4b:s9+s13], $0x4000, s12, s13, $0x200038;
	v0 =	vadd.f32 v1, v0;
	[tilespmem:$0x10800] =	vst v63  }
0x27: {  	s21 =	simm.s32 $0x1;
	s22 =	simm.s32 $0x0;
	_ =	strace $0x90000048  }
.LBB2_2:
0x28: {  	s25 =	smov.u32 s18;
	s18 =	sadd.s32 $0x1, s18  }
0x29: {  	p0 =	seq.s32 s18, s8  }
0x2a: {  	s18 =	simm.s32 @p0 $0x0  }
0x2b: {  	p6 =	slt.u32 s22, s10;
	p1 =	sne.s32 s25, s18  }
0x2c: {  	p0 =	por !p6, !p1  }
0x2d: {  	p0 =	por !p0, !p0  }
0x2e: {  	s23 =	sadd.s32 @p0 s5, s18  }
0x2f: {  	s24 =	sshll.u32 @p0 s23, $0xE;
	s23 =	sshll.u32 @p0 s23, $0x7  }
0x30: {  	s26 =	sand.u32 @p0 $0x1, s21;
	s24 =	sand.u32 @p0 $0xFFFE0000, s24;
	s23 =	sand.u32 @p0 $0x380, s23  }
0x31: {  	_ =	strace @p0 $0x80000049;
	s28 =	simm.s32 @p0 $0x80;
	s23 =	sor.u32 @p0 s23, s24  }
0x32: {  	s29 =	simm.s32 @p0 $0x400;
	s24 =	sshll.u32 @p0 s26, $0xE;
	s23 =	sshrl.u32 @p0 s23, $0x3  }
0x33: {  	s26 =	sor.u32 @p0 $0x2, s26;
	s24 =	sor.u32 @p0 $0x800, s24;
	s23 =	sadd.s32 @p0 s1, s23  }
0x34: {  	[tilespmem:s24], [sflag:s26] =	stream.strided.gather @p0 [hbm4b:s23+s28], $0x4000, s29, s28, $0x200038;
	[tilespmem:$0x10800] =	vst v63  }
0x35: {  	s30 =	sand.u32 $0x1, s20;
	_ =	strace @p0 $0x90000049  }
0x36: {  	s31 =	sor.u32 $0x2, s30;
	_ =	strace $0x8000004A  }
0x37: {  	_ =	swait.ge [sflag:s31], $0x4000  }
0x38: {  	[sflag:s31] =	ssyncset.done $0x0  }
0x39: {  	[sflag:s31] =	ssyncadd.s32 $0xFFFFC000  }
0x3a: {  	s23 =	sshll.u32 s30, $0xE;
	_ =	strace $0x9000004A  }
0x3b: {  	s29 =	sor.u32 $0x880, s23;
	_ =	strace $0x8000004B  }
0x3c: {  	v1 =	vld [tilespmem:s29+$0x70]  }
0x3d: {  	v2 =	vld [tilespmem:s29+$0xFFFFFF90]  }
0x3e: {  	v3 =	vld [tilespmem:s29+$0xFFFFFFA0]  }
0x3f: {  	v4 =	vld [tilespmem:s29+$0xFFFFFFB0]  }
0x40: {  	s23 =	sand.u32 $0x1, s19;
	v5 =	vld [tilespmem:s29+$0xFFFFFFC0]  }
0x41: {  	s28 =	sshll.u32 s23, $0xE;
	v6 =	vld [tilespmem:s29+$0xFFFFFFD0];
	v1 =	vperm.xlane v0, v1  }
0x42: {  	s24 =	sor.u32 $0x8880, s28;
	v7 =	vld [tilespmem:s29+$0xFFFFFFE0];
	v2 =	vperm.xlane v0, v2  }
0x43: {  	v8 =	vld [tilespmem:s29+$0xFFFFFFF0];
	v3 =	vperm.xlane v0, v3;
	[tilespmem:s24+$0x70] =	vst v1  }
0x44: {  	[tilespmem:s24+$0xFFFFFF90] =	vst v2;
	v1 =	vperm.xlane v0, v4;
	v4 =	vld [tilespmem:s29+$0x0]  }
0x45: {  	[tilespmem:s24+$0xFFFFFFA0] =	vst v3;
	v2 =	vperm.xlane v0, v5;
	v5 =	vld [tilespmem:s29+$0x10]  }
0x46: {  	v9 =	vld [tilespmem:s29+$0x20];
	v3 =	vperm.xlane v0, v6;
	[tilespmem:s24+$0xFFFFFFB0] =	vst v1  }
0x47: {  	v6 =	vperm.xlane v0, v7;
	[tilespmem:s24+$0xFFFFFFC0] =	vst v2;
	v1 =	vld [tilespmem:s29+$0x30]  }
0x48: {  	v7 =	vperm.xlane v0, v8;
	[tilespmem:s24+$0xFFFFFFD0] =	vst v3;
	v2 =	vld [tilespmem:s29+$0x40]  }
0x49: {  	[tilespmem:s24+$0xFFFFFFE0] =	vst v6;
	v3 =	vld [tilespmem:s29+$0x50];
	v8 =	vperm.xlane v0, v4  }
0x4a: {  	s26 =	sadd.s32 s5, s25;
	[tilespmem:s24+$0xFFFFFFF0] =	vst v7;
	v4 =	vld [tilespmem:s29+$0x60];
	v6 =	vperm.xlane v0, v5  }
0x4b: {  	s25 =	sor.u32 $0x8800, s28;
	s28 =	simm.s32 $0x0;
	v7 =	vperm.xlane v0, v9;
	v5 =	vld [tilespmem:s29+$0xFFFFFF80];
	s29 =	sadd.s32 $0x100, s29;
	[tilespmem:s24+$0x0] =	vst v8  }
.LBB2_3:
0x4c: {  	v8 =	vld [tilespmem:s29+$0x70];
	s28 =	sadd.s32 $0x100, s28;
	[tilespmem:s24+$0x10] =	vst v6;
	v1 =	vperm.xlane v0, v1  }
0x4d: {  	v6 =	vld [tilespmem:s29+$0xFFFFFF90];
	p2 =	slt.u32 s28, $0x3F00;
	[tilespmem:s24+$0x20] =	vst v7;
	v2 =	vperm.xlane v0, v2  }
0x4e: {  	v7 =	vld [tilespmem:s29+$0xFFFFFFA0];
	[tilespmem:s24+$0x30] =	vst v1;
	v1 =	vperm.xlane v0, v3  }
0x4f: {  	v3 =	vld [tilespmem:s29+$0xFFFFFFB0];
	[tilespmem:s24+$0x40] =	vst v2;
	v2 =	vperm.xlane v0, v4  }
0x50: {  	v4 =	vld [tilespmem:s29+$0xFFFFFFC0];
	v5 =	vperm.xlane v0, v5;
	[tilespmem:s24+$0x50] =	vst v1  }
0x51: {  	v1 =	vld [tilespmem:s29+$0xFFFFFFD0];
	v8 =	vperm.xlane v0, v8;
	[tilespmem:s24+$0x60] =	vst v2  }
0x52: {  	v2 =	vperm.xlane v0, v6;
	v6 =	vld [tilespmem:s29+$0xFFFFFFE0];
	[tilespmem:s24+$0xFFFFFF80] =	vst v5;
	s24 =	sadd.s32 $0x100, s24  }
0x53: {  	v5 =	vperm.xlane v0, v7;
	v7 =	vld [tilespmem:s29+$0xFFFFFFF0];
	[tilespmem:s24+$0x70] =	vst v8  }
0x54: {  	[tilespmem:s24+$0xFFFFFF90] =	vst v2;
	v2 =	vperm.xlane v0, v3;
	v3 =	vld [tilespmem:s29+$0x0]  }
0x55: {  	[tilespmem:s24+$0xFFFFFFA0] =	vst v5;
	v4 =	vperm.xlane v0, v4;
	v5 =	vld [tilespmem:s29+$0x10]  }
0x56: {  	[tilespmem:s24+$0xFFFFFFB0] =	vst v2;
	v2 =	vperm.xlane v0, v1;
	v8 =	vld [tilespmem:s29+$0x20]  }
.Ltmp0:
0x57: {  	[tilespmem:s24+$0xFFFFFFC0] =	vst v4;
	v4 =	vperm.xlane v0, v6;
	v1 =	vld [tilespmem:s29+$0x30];
	(pc) =	sbr.rel @p2 .LBB2_3-.Ltmp0, $4  }
0x58: {  	[tilespmem:s24+$0xFFFFFFD0] =	vst v2;
	v6 =	vperm.xlane v0, v7;
	v2 =	vld [tilespmem:s29+$0x40]  }
0x59: {  	[tilespmem:s24+$0xFFFFFFE0] =	vst v4;
	v7 =	vperm.xlane v0, v3;
	v3 =	vld [tilespmem:s29+$0x50]  }
0x5a: {  	[tilespmem:s24+$0xFFFFFFF0] =	vst v6;
	v6 =	vperm.xlane v0, v5;
	v4 =	vld [tilespmem:s29+$0x60]  }
0x5b: {  	v5 =	vld [tilespmem:s29+$0xFFFFFF80];
	[tilespmem:s24+$0x0] =	vst v7;
	v7 =	vperm.xlane v0, v8;
	s29 =	sadd.s32 $0x100, s29  }
0x5c: {  	[tilespmem:s24+$0x10] =	vst v6;
	v1 =	vperm.xlane v0, v1  }
0x5d: {  	[tilespmem:s24+$0x20] =	vst v7;
	v2 =	vperm.xlane v0, v2  }
0x5e: {  	[tilespmem:s24+$0x30] =	vst v1;
	v1 =	vperm.xlane v0, v3  }
0x5f: {  	[tilespmem:s24+$0x40] =	vst v2;
	v2 =	vperm.xlane v0, v4  }
0x60: {  	p2 =	seq.s32 s22, s10;
	v3 =	vperm.xlane v0, v5;
	[tilespmem:s24+$0x50] =	vst v1  }
0x61: {  	p1 =	por p2, p1;
	[tilespmem:s24+$0x60] =	vst v2  }
0x62: {  	[tilespmem:s24+$0xFFFFFF80] =	vst v3;
	s24 =	sshll.u32 @p1 s26, $0xB  }
0x63: {  	s23 =	sor.u32 @p1 $0x4, s23;
	_ =	strace $0x9000004B;
	s24 =	sand.u32 @p1 $0x1FFFF800, s24  }
0x64: {  	s26 =	simm.s32 @p1 $0x0;
	_ =	strace @p1 $0x8000004C;
	s24 =	sadd.s32 @p1 s3, s24  }
0x65: {  	[hbm4b:s24+s26] =	stream.linear.scatter @p1 [tilespmem:s25], [sflag:s23], $0x4000, $0x200038;
	[tilespmem:$0x10800] =	vst v63  }
0x66: {  	s23 =	simm.s32 $0x1  }
0x67: {  	s25 =	simm.s32 $0x1;
	s23 =	simm.s32 @!p0 $0x0;
	p0 =	seq.s32 s22, $0x0  }
0x68: {  	_ =	strace @p1 $0x9000004C;
	s21 =	sadd.s32 s23, s21;
	s23 =	simm.s32 $0x1  }
0x69: {  	s23 =	simm.s32 @!p1 $0x0;
	p1 =	sne.s32 s22, $0x0;
	s22 =	sadd.s32 $0x1, s22  }
0x6a: {  	s24 =	sand.u32 @!p0 $0x1, s17;
	s25 =	simm.s32 @!p1 $0x0;
	p1 =	sne.s32 s22, s8  }
.Ltmp1:
0x6b: {  	_ =	strace @!p0 $0x8000004D;
	s24 =	sor.u32 @!p0 $0x4, s24;
	(pc) =	sbr.rel @p1 .LBB2_2-.Ltmp1, $4  }
0x6c: {  	_ =	swait.ge @!p0 [sflag:s24], $0x4000  }
0x6d: {  	[sflag:s24] =	ssyncset.done @!p0 $0x0  }
0x6e: {  	s19 =	sadd.s32 s23, s19;
	[sflag:s24] =	ssyncadd.s32 @!p0 $0xFFFFC000  }
0x6f: {  	s20 =	sadd.s32 s23, s20;
	s17 =	sadd.s32 s25, s17;
	_ =	strace @!p0 $0x9000004D  }
0x70: {  	s16 =	sadd.s32 $0x1, s16  }
0x71: {  	s17 =	sand.u32 $0x1, s17;
	p0 =	sne.s32 s16, s11  }
.Ltmp2:
0x72: {  	_ =	strace $0x8000004E;
	s17 =	sor.u32 $0x4, s17;
	(pc) =	sbr.rel @p0 .LBB2_1-.Ltmp2, $4  }
0x73: {  	_ =	swait.ge [sflag:s17], $0x4000  }
0x74: {  	[sflag:s17] =	ssyncset.done $0x0  }
0x75: {  	[sflag:s17] =	ssyncadd.s32 $0xFFFFC000  }
0x76: {  	_ =	strace $0x9000004E  }
0x77: {  	_ =	sfence.sel $0x180000  }
0x78: {  	[bflag:$0x0] =	sbarrier.arrive $0xFFFF  }
0x79: {  	p0 =	sne.s32 s0, $0x0;
	_ =	strace $0x90000047  }
0x7a: {  	s0 =	sadd.s32 @!p0 $0x100000, s2;
	[bflag:$0x2] =	sbarrier.arrive $0xFFFF  }
0x7b: {  	[sflag:s0] =	ssyncadd.tile.s32 @!p0 $0x1;
	_ =	shalt  }
.Lfunc_end2:
_tile_overlayer_lowered:
.L_overlay_start_2:
0x7c: {  	(tag) =	ssettag $0x2  }
0x7d: {  	s0 =	rddreg [dreg:$0x0];
	s2 =	stileid.u32  }
0x7e: {  	s1 =	rddreg [dreg:$0x1];
	p0 =	sne.s32 s2, $0x0  }
0x7f: {  	s3 =	rddreg [dreg:$0x2];
	[bflag:$0x3] =	sbarrier.arrive $0xFFFF;
	s2 =	simm.s32 @!p0 $0x1C02  }
0x80: {  	[timem:s3], [sflag:s2] =	dma.local @!p0 [hbm:s0], s1  }
0x81: {  	s0 =	simm.s32 @!p0 $0x2  }
0x82: {  	_ =	swait.ge @!p0 [sflag:s0], s1  }
0x83: {  	s1 =	ssub.s32 @!p0 $0x0, s1;
	[sflag:s0] =	ssyncset.done @!p0 $0x0  }
0x84: {  	[sflag:s0] =	ssyncadd.s32 @!p0 s1  }
0x85: {  	[bflag:$0x3] =	sbarrier.arrive $0xFFFF  }
0x86: {  	_ =	shalt  }

</sc_bundles>
